<compile_context>
chip_gen: v7x
topology: tpu7x:2x2x1
jax: 0.10.2.dev20260603
libtpu: 0.0.44.dev20260713+nightly
codegen_flags: <defaults>
</compile_context>

<pallas_src>
import functools

import jax
import jax.numpy as jnp
from jax import lax
from jax.experimental import pallas as pl
from jax.experimental.pallas import tpu as pltpu
from jax.experimental.pallas import tpu_sc as plsc

BATCH = 16384
DIM = 32
NC = 2
NS = 16
NW = NC * NS
BPW = BATCH // NW
CHUNK = 128
NCH = BPW // CHUNK
GROUPS = BPW // 16

_MESH = plsc.VectorSubcoreMesh(core_axis_name="c", subcore_axis_name="s")


@functools.partial(
    pl.kernel,
    out_type=jax.ShapeDtypeStruct((BATCH,), jnp.float32),
    mesh=_MESH,
    compiler_params=pltpu.CompilerParams(
        needs_layout_passes=False, use_tc_tiling_on_sc=False),
    scratch_types=[
        pltpu.VMEM((NCH, CHUNK), jnp.int32),
        pltpu.VMEM((NCH, CHUNK), jnp.int32),
        pltpu.VMEM((BPW, DIM), jnp.float32),
        pltpu.VMEM((BPW, DIM), jnp.float32),
        pltpu.VMEM((BPW,), jnp.float32),
        pltpu.VMEM((BPW,), jnp.float32),
        pltpu.VMEM((BPW,), jnp.float32),
        pltpu.VMEM((16,), jnp.float32),
        pltpu.SemaphoreType.DMA,
    ],
)
def _sc_predict(uid_hbm, iid_hbm, uemb_hbm, iemb_hbm, ub_hbm, ib_hbm, gb_hbm,
                out_hbm,
                uid_v, iid_v, urows_v, irows_v, ub_v, ib_v, out_v, gb_v, sem):
    wid = lax.axis_index("s") * NC + lax.axis_index("c")
    base = wid * BPW
    row0 = wid * NCH

    pltpu.sync_copy(uid_hbm.at[pl.ds(row0, NCH)], uid_v)
    pltpu.sync_copy(iid_hbm.at[pl.ds(row0, NCH)], iid_v)
    pltpu.sync_copy(gb_hbm, gb_v)

    copies = []
    for j in range(NCH):
        dst = pl.ds(j * CHUNK, CHUNK)
        copies.append(pltpu.async_copy(uemb_hbm.at[uid_v.at[j]], urows_v.at[dst], sem))
        copies.append(pltpu.async_copy(iemb_hbm.at[iid_v.at[j]], irows_v.at[dst], sem))
        copies.append(pltpu.async_copy(ub_hbm.at[uid_v.at[j]], ub_v.at[dst], sem))
        copies.append(pltpu.async_copy(ib_hbm.at[iid_v.at[j]], ib_v.at[dst], sem))
    for cp in copies:
        cp.wait()

    lane = lax.broadcasted_iota(jnp.int32, (16,), 0)
    one = jnp.float32(1.0)
    gb = gb_v[...]

    def group_body(g, carry):
        row = g * 16 + lane
        x2 = jnp.zeros((16,), jnp.float32)
        y2 = jnp.zeros((16,), jnp.float32)
        d2 = jnp.zeros((16,), jnp.float32)
        for d in range(DIM):
            col = jnp.full((16,), d, jnp.int32)
            ud = plsc.load_gather(urows_v, [row, col])
            vd = plsc.load_gather(irows_v, [row, col])
            x2 = x2 + ud * ud
            y2 = y2 + vd * vd
            df = ud - vd
            d2 = d2 + df * df
        denom = (one - x2) * (one - y2)
        arg = one + jnp.float32(2.0) * d2 / jnp.maximum(denom, jnp.float32(1e-12))
        arg = jnp.maximum(arg, jnp.float32(1.0 + 1e-7))
        t = arg * arg - one
        ti = plsc.bitcast(t, jnp.int32)
        r = plsc.bitcast(jnp.int32(0x5F3759DF) - (ti >> 1), jnp.float32)
        half_t = jnp.float32(0.5) * t
        for _ in range(3):
            r = r * (jnp.float32(1.5) - half_t * r * r)
        s = t * r
        sim4 = jnp.float32(4.0) / (arg + s)
        sl = pl.ds(g * 16, 16)
        out_v[sl] = gb + ub_v[sl] + ib_v[sl] + sim4
        return carry

    lax.fori_loop(0, GROUPS, group_body, 0)
    pltpu.sync_copy(out_v, out_hbm.at[pl.ds(base, BPW)])


def kernel(user_ids, item_ids, user_embeddings, item_embeddings, user_bias,
           item_bias, global_bias):
    uid2d = user_ids.astype(jnp.int32).reshape(NW * NCH, CHUNK)
    iid2d = item_ids.astype(jnp.int32).reshape(NW * NCH, CHUNK)
    gb16 = jnp.broadcast_to(jnp.asarray(global_bias, jnp.float32), (16,))
    return _sc_predict(uid2d, iid2d, user_embeddings, item_embeddings,
                       user_bias, item_bias, gb16)

# --- scband reference (transcript-rebuilt; emitter-appended) ---
"""Pipeline reference for scband-hyperbolic-recommender-9388798509480 (READ-ONLY COPY).

The authoritative reference and input builder live on the scoring server;
editing this copy changes nothing except your own understanding.
"""

import jax, jax.numpy as jnp
import numpy as np

N_USERS = 1000000
N_ITEMS = 1000000
EMBED_DIM = 32
BATCH = 16384
C = 1.0  # c = -curvature, curvature = -1.0
EPS = 1e-5


def project(x):
    # Project onto the Poincare ball of curvature -C: clip norm to (1-eps)/sqrt(C)
    norm = jnp.linalg.norm(x, axis=-1, keepdims=True)
    max_norm = (1.0 - EPS) / jnp.sqrt(C)
    clipped = x / jnp.maximum(norm, 1e-12) * max_norm
    return jnp.where(norm > max_norm, clipped, x)


def poincare_distance(x, y):
    x2 = jnp.sum(x * x, axis=-1)
    y2 = jnp.sum(y * y, axis=-1)
    diff2 = jnp.sum((x - y) ** 2, axis=-1)
    denom = (1.0 - C * x2) * (1.0 - C * y2)
    arg = 1.0 + 2.0 * C * diff2 / jnp.maximum(denom, 1e-12)
    arg = jnp.maximum(arg, 1.0 + 1e-7)
    return jnp.arccosh(arg) / jnp.sqrt(C)


def setup_inputs(seed: int = 0) -> dict:
    key = jax.random.key(seed)
    k1, k2, k3, k4 = jax.random.split(key, 4)
    user_ids = jax.random.randint(k1, (BATCH,), 0, N_USERS, dtype=jnp.int64 if jax.config.jax_enable_x64 else jnp.int32)
    item_ids = jax.random.randint(k2, (BATCH,), 0, N_ITEMS, dtype=jnp.int64 if jax.config.jax_enable_x64 else jnp.int32)
    user_embeddings = project(jax.random.normal(k3, (N_USERS, EMBED_DIM), dtype=jnp.float32) * 0.01)
    item_embeddings = project(jax.random.normal(k4, (N_ITEMS, EMBED_DIM), dtype=jnp.float32) * 0.01)
    user_bias = jnp.zeros((N_USERS,), dtype=jnp.float32)
    item_bias = jnp.zeros((N_ITEMS,), dtype=jnp.float32)
    global_bias = jnp.asarray(0.0, dtype=jnp.float32)
    return {
        'user_ids': user_ids,
        'item_ids': item_ids,
        'user_embeddings': user_embeddings,
        'item_embeddings': item_embeddings,
        'user_bias': user_bias,
        'item_bias': item_bias,
        'global_bias': global_bias,
    }


def reference(user_ids, item_ids, user_embeddings, item_embeddings, user_bias, item_bias, global_bias):
    user_emb = project(jnp.take(user_embeddings, user_ids, axis=0))
    item_emb = project(jnp.take(item_embeddings, item_ids, axis=0))
    dist = poincare_distance(user_emb, item_emb)
    similarity = jnp.exp(-dist)
    pred = global_bias + jnp.take(user_bias, user_ids) + jnp.take(item_bias, item_ids) + similarity * 4.0
    return pred

if __name__ == "__main__":
    import jax
    _d = setup_inputs()
    print(jax.jit(kernel)(*tuple(_d.values())))

</pallas_src>

<mosaic_0001>
#map = affine_map<(d0, d1) -> (0, 0)>
#map1 = affine_map<(d0, d1) -> (0)>
module attributes {stable_mosaic.version = 14 : i64} {
  func.func @_sc_predict(%arg0: i32, %arg1: i32, %arg2: memref<128x128xi32, #tpu.memory_space<hbm>>, %arg3: memref<128x128xi32, #tpu.memory_space<hbm>>, %arg4: memref<1000000x32xf32, #tpu.memory_space<hbm>>, %arg5: memref<1000000x32xf32, #tpu.memory_space<hbm>>, %arg6: memref<1000000xf32, #tpu.memory_space<hbm>>, %arg7: memref<1000000xf32, #tpu.memory_space<hbm>>, %arg8: memref<16xf32, #tpu.memory_space<hbm>>, %arg9: memref<16384xf32, #tpu.memory_space<hbm>>, %arg10: memref<4x128xi32, #tpu.memory_space<vmem>>, %arg11: memref<4x128xi32, #tpu.memory_space<vmem>>, %arg12: memref<512x32xf32, #tpu.memory_space<vmem>>, %arg13: memref<512x32xf32, #tpu.memory_space<vmem>>, %arg14: memref<512xf32, #tpu.memory_space<vmem>>, %arg15: memref<512xf32, #tpu.memory_space<vmem>>, %arg16: memref<512xf32, #tpu.memory_space<vmem>>, %arg17: memref<16xf32, #tpu.memory_space<vmem>>, %arg18: memref<!tpu.dma_semaphore, #tpu.memory_space<semaphore_mem>>) attributes {dimension_semantics = [#tpu.dimension_semantics<core_parallel>, #tpu.dimension_semantics<subcore_parallel>], iteration_bounds = array<i64: 2, 16>, scalar_prefetch = 0 : i64, scratch_operands = 9 : i64, tpu.core_type = #tpu.core_type<sc_vector_subcore>, window_params = [{transform_indices = #map}, {transform_indices = #map}, {transform_indices = #map}, {transform_indices = #map}, {transform_indices = #map1}, {transform_indices = #map1}, {transform_indices = #map1}, {transform_indices = #map1}]} {
    %mul3A = arith.constant 2 : i32
    %mul3A_0 = arith.muli %arg1, %mul3A : i32
    %add3A = arith.addi %mul3A_0, %arg0 : i32
    %mul3A_1 = arith.constant 512 : i32
    %mul3A_2 = arith.muli %add3A, %mul3A_1 : i32
    %mul3A_3 = arith.constant 4 : i32
    %mul3A_4 = arith.muli %add3A, %mul3A_3 : i32
    "tpu.region"() ({
      %run_scoped3A = tpu.sem_alloc : memref<!tpu.dma_semaphore, #tpu.memory_space<semaphore_mem>>
      %dma_start3A_298 = arith.constant 0 : i32
      %dma_start3A_299 = tpu.memref_slice %arg2[%mul3A_4, %dma_start3A_298] : memref<128x128xi32, #tpu.memory_space<hbm>> -> memref<4x128xi32, #tpu.memory_space<hbm>>
      %dma_start3A_300 = arith.constant 0 : i32
      %dma_start3A_301 = tpu.memref_slice %arg2[%mul3A_4, %dma_start3A_300] : memref<128x128xi32, #tpu.memory_space<hbm>> -> memref<4x128xi32, #tpu.memory_space<hbm>>
      tpu.enqueue_dma source(%dma_start3A_301 : memref<4x128xi32, #tpu.memory_space<hbm>>) target(%arg10 : memref<4x128xi32, #tpu.memory_space<vmem>>) target_semaphore(%run_scoped3A : memref<!tpu.dma_semaphore, #tpu.memory_space<semaphore_mem>>)
      %dma_wait3A_302 = arith.constant 0 : i32
      %dma_wait3A_303 = tpu.memref_slice %arg2[%mul3A_4, %dma_wait3A_302] : memref<128x128xi32, #tpu.memory_space<hbm>> -> memref<4x128xi32, #tpu.memory_space<hbm>>
      %dma_wait3A_304 = arith.constant 0 : i32
      %dma_wait3A_305 = tpu.memref_slice %arg2[%mul3A_4, %dma_wait3A_304] : memref<128x128xi32, #tpu.memory_space<hbm>> -> memref<4x128xi32, #tpu.memory_space<hbm>>
      tpu.wait_dma2 semaphore(%run_scoped3A : memref<!tpu.dma_semaphore, #tpu.memory_space<semaphore_mem>>) src(%dma_wait3A_305 : memref<4x128xi32, #tpu.memory_space<hbm>>) dst(%arg10 : memref<4x128xi32, #tpu.memory_space<vmem>>)
      tpu.yield
    }) : () -> ()
    "tpu.region"() ({
      %run_scoped3A = tpu.sem_alloc : memref<!tpu.dma_semaphore, #tpu.memory_space<semaphore_mem>>
      %dma_start3A_298 = arith.constant 0 : i32
      %dma_start3A_299 = tpu.memref_slice %arg3[%mul3A_4, %dma_start3A_298] : memref<128x128xi32, #tpu.memory_space<hbm>> -> memref<4x128xi32, #tpu.memory_space<hbm>>
      %dma_start3A_300 = arith.constant 0 : i32
      %dma_start3A_301 = tpu.memref_slice %arg3[%mul3A_4, %dma_start3A_300] : memref<128x128xi32, #tpu.memory_space<hbm>> -> memref<4x128xi32, #tpu.memory_space<hbm>>
      tpu.enqueue_dma source(%dma_start3A_301 : memref<4x128xi32, #tpu.memory_space<hbm>>) target(%arg11 : memref<4x128xi32, #tpu.memory_space<vmem>>) target_semaphore(%run_scoped3A : memref<!tpu.dma_semaphore, #tpu.memory_space<semaphore_mem>>)
      %dma_wait3A_302 = arith.constant 0 : i32
      %dma_wait3A_303 = tpu.memref_slice %arg3[%mul3A_4, %dma_wait3A_302] : memref<128x128xi32, #tpu.memory_space<hbm>> -> memref<4x128xi32, #tpu.memory_space<hbm>>
      %dma_wait3A_304 = arith.constant 0 : i32
      %dma_wait3A_305 = tpu.memref_slice %arg3[%mul3A_4, %dma_wait3A_304] : memref<128x128xi32, #tpu.memory_space<hbm>> -> memref<4x128xi32, #tpu.memory_space<hbm>>
      tpu.wait_dma2 semaphore(%run_scoped3A : memref<!tpu.dma_semaphore, #tpu.memory_space<semaphore_mem>>) src(%dma_wait3A_305 : memref<4x128xi32, #tpu.memory_space<hbm>>) dst(%arg11 : memref<4x128xi32, #tpu.memory_space<vmem>>)
      tpu.yield
    }) : () -> ()
    "tpu.region"() ({
      %run_scoped3A = tpu.sem_alloc : memref<!tpu.dma_semaphore, #tpu.memory_space<semaphore_mem>>
      tpu.enqueue_dma source(%arg8 : memref<16xf32, #tpu.memory_space<hbm>>) target(%arg17 : memref<16xf32, #tpu.memory_space<vmem>>) target_semaphore(%run_scoped3A : memref<!tpu.dma_semaphore, #tpu.memory_space<semaphore_mem>>)
      tpu.wait_dma2 semaphore(%run_scoped3A : memref<!tpu.dma_semaphore, #tpu.memory_space<semaphore_mem>>) src(%arg8 : memref<16xf32, #tpu.memory_space<hbm>>) dst(%arg17 : memref<16xf32, #tpu.memory_space<vmem>>)
      tpu.yield
    }) : () -> ()
    %dma_start3A = arith.constant 0 : i32
    %dma_start3A_5 = arith.constant 0 : i32
    %dma_start3A_6 = arith.constant 0 : i32
    %dma_start3A_7 = tpu.memref_slice %arg12[%dma_start3A_5, %dma_start3A_6] : memref<512x32xf32, #tpu.memory_space<vmem>> -> memref<128x32xf32, #tpu.memory_space<vmem>>
    %dma_start3A_8 = arith.constant 0 : i32
    %dma_start3A_9 = tpu.memref_slice %arg10[%dma_start3A, %dma_start3A_8] : memref<4x128xi32, #tpu.memory_space<vmem>> -> memref<1x128xi32, #tpu.memory_space<vmem>>
    %dma_start3A_10 = tpu.memref_squeeze %dma_start3A_9 : memref<1x128xi32, #tpu.memory_space<vmem>> -> memref<128xi32, #tpu.memory_space<vmem>>
    %dma_start3A_11 = arith.constant 0 : i32
    %dma_start3A_12 = arith.constant 0 : i32
    %dma_start3A_13 = tpu.memref_slice %arg4[%dma_start3A_11, %dma_start3A_12] : memref<1000000x32xf32, #tpu.memory_space<hbm>> -> memref<1000000x32xf32, #tpu.memory_space<hbm>>
    tpu.enqueue_indirect_dma source(%dma_start3A_13 : memref<1000000x32xf32, #tpu.memory_space<hbm>>) target(%dma_start3A_7 : memref<128x32xf32, #tpu.memory_space<vmem>>) offsets(%dma_start3A_10 : memref<128xi32, #tpu.memory_space<vmem>>) semaphore(%arg18 : memref<!tpu.dma_semaphore, #tpu.memory_space<semaphore_mem>>)
    %dma_start3A_14 = arith.constant 0 : i32
    %dma_start3A_15 = arith.constant 0 : i32
    %dma_start3A_16 = arith.constant 0 : i32
    %dma_start3A_17 = tpu.memref_slice %arg13[%dma_start3A_15, %dma_start3A_16] : memref<512x32xf32, #tpu.memory_space<vmem>> -> memref<128x32xf32, #tpu.memory_space<vmem>>
    %dma_start3A_18 = arith.constant 0 : i32
    %dma_start3A_19 = tpu.memref_slice %arg11[%dma_start3A_14, %dma_start3A_18] : memref<4x128xi32, #tpu.memory_space<vmem>> -> memref<1x128xi32, #tpu.memory_space<vmem>>
    %dma_start3A_20 = tpu.memref_squeeze %dma_start3A_19 : memref<1x128xi32, #tpu.memory_space<vmem>> -> memref<128xi32, #tpu.memory_space<vmem>>
    %dma_start3A_21 = arith.constant 0 : i32
    %dma_start3A_22 = arith.constant 0 : i32
    %dma_start3A_23 = tpu.memref_slice %arg5[%dma_start3A_21, %dma_start3A_22] : memref<1000000x32xf32, #tpu.memory_space<hbm>> -> memref<1000000x32xf32, #tpu.memory_space<hbm>>
    tpu.enqueue_indirect_dma source(%dma_start3A_23 : memref<1000000x32xf32, #tpu.memory_space<hbm>>) target(%dma_start3A_17 : memref<128x32xf32, #tpu.memory_space<vmem>>) offsets(%dma_start3A_20 : memref<128xi32, #tpu.memory_space<vmem>>) semaphore(%arg18 : memref<!tpu.dma_semaphore, #tpu.memory_space<semaphore_mem>>)
    %dma_start3A_24 = arith.constant 0 : i32
    %dma_start3A_25 = arith.constant 0 : i32
    %dma_start3A_26 = tpu.memref_slice %arg14[%dma_start3A_25] : memref<512xf32, #tpu.memory_space<vmem>> -> memref<128xf32, #tpu.memory_space<vmem>>
    %dma_start3A_27 = arith.constant 0 : i32
    %dma_start3A_28 = tpu.memref_slice %arg10[%dma_start3A_24, %dma_start3A_27] : memref<4x128xi32, #tpu.memory_space<vmem>> -> memref<1x128xi32, #tpu.memory_space<vmem>>
    %dma_start3A_29 = tpu.memref_squeeze %dma_start3A_28 : memref<1x128xi32, #tpu.memory_space<vmem>> -> memref<128xi32, #tpu.memory_space<vmem>>
    %dma_start3A_30 = arith.constant 0 : i32
    %dma_start3A_31 = tpu.memref_slice %arg6[%dma_start3A_30] : memref<1000000xf32, #tpu.memory_space<hbm>> -> memref<1000000xf32, #tpu.memory_space<hbm>>
    tpu.enqueue_indirect_dma source(%dma_start3A_31 : memref<1000000xf32, #tpu.memory_space<hbm>>) target(%dma_start3A_26 : memref<128xf32, #tpu.memory_space<vmem>>) offsets(%dma_start3A_29 : memref<128xi32, #tpu.memory_space<vmem>>) semaphore(%arg18 : memref<!tpu.dma_semaphore, #tpu.memory_space<semaphore_mem>>)
    %dma_start3A_32 = arith.constant 0 : i32
    %dma_start3A_33 = arith.constant 0 : i32
    %dma_start3A_34 = tpu.memref_slice %arg15[%dma_start3A_33] : memref<512xf32, #tpu.memory_space<vmem>> -> memref<128xf32, #tpu.memory_space<vmem>>
    %dma_start3A_35 = arith.constant 0 : i32
    %dma_start3A_36 = tpu.memref_slice %arg11[%dma_start3A_32, %dma_start3A_35] : memref<4x128xi32, #tpu.memory_space<vmem>> -> memref<1x128xi32, #tpu.memory_space<vmem>>
    %dma_start3A_37 = tpu.memref_squeeze %dma_start3A_36 : memref<1x128xi32, #tpu.memory_space<vmem>> -> memref<128xi32, #tpu.memory_space<vmem>>
    %dma_start3A_38 = arith.constant 0 : i32
    %dma_start3A_39 = tpu.memref_slice %arg7[%dma_start3A_38] : memref<1000000xf32, #tpu.memory_space<hbm>> -> memref<1000000xf32, #tpu.memory_space<hbm>>
    tpu.enqueue_indirect_dma source(%dma_start3A_39 : memref<1000000xf32, #tpu.memory_space<hbm>>) target(%dma_start3A_34 : memref<128xf32, #tpu.memory_space<vmem>>) offsets(%dma_start3A_37 : memref<128xi32, #tpu.memory_space<vmem>>) semaphore(%arg18 : memref<!tpu.dma_semaphore, #tpu.memory_space<semaphore_mem>>)
    %dma_start3A_40 = arith.constant 1 : i32
    %dma_start3A_41 = arith.constant 128 : i32
    %dma_start3A_42 = arith.constant 0 : i32
    %dma_start3A_43 = tpu.memref_slice %arg12[%dma_start3A_41, %dma_start3A_42] : memref<512x32xf32, #tpu.memory_space<vmem>> -> memref<128x32xf32, #tpu.memory_space<vmem>>
    %dma_start3A_44 = arith.constant 0 : i32
    %dma_start3A_45 = tpu.memref_slice %arg10[%dma_start3A_40, %dma_start3A_44] : memref<4x128xi32, #tpu.memory_space<vmem>> -> memref<1x128xi32, #tpu.memory_space<vmem>>
    %dma_start3A_46 = tpu.memref_squeeze %dma_start3A_45 : memref<1x128xi32, #tpu.memory_space<vmem>> -> memref<128xi32, #tpu.memory_space<vmem>>
    %dma_start3A_47 = arith.constant 0 : i32
    %dma_start3A_48 = arith.constant 0 : i32
    %dma_start3A_49 = tpu.memref_slice %arg4[%dma_start3A_47, %dma_start3A_48] : memref<1000000x32xf32, #tpu.memory_space<hbm>> -> memref<1000000x32xf32, #tpu.memory_space<hbm>>
    tpu.enqueue_indirect_dma source(%dma_start3A_49 : memref<1000000x32xf32, #tpu.memory_space<hbm>>) target(%dma_start3A_43 : memref<128x32xf32, #tpu.memory_space<vmem>>) offsets(%dma_start3A_46 : memref<128xi32, #tpu.memory_space<vmem>>) semaphore(%arg18 : memref<!tpu.dma_semaphore, #tpu.memory_space<semaphore_mem>>)
    %dma_start3A_50 = arith.constant 1 : i32
    %dma_start3A_51 = arith.constant 128 : i32
    %dma_start3A_52 = arith.constant 0 : i32
    %dma_start3A_53 = tpu.memref_slice %arg13[%dma_start3A_51, %dma_start3A_52] : memref<512x32xf32, #tpu.memory_space<vmem>> -> memref<128x32xf32, #tpu.memory_space<vmem>>
    %dma_start3A_54 = arith.constant 0 : i32
    %dma_start3A_55 = tpu.memref_slice %arg11[%dma_start3A_50, %dma_start3A_54] : memref<4x128xi32, #tpu.memory_space<vmem>> -> memref<1x128xi32, #tpu.memory_space<vmem>>
    %dma_start3A_56 = tpu.memref_squeeze %dma_start3A_55 : memref<1x128xi32, #tpu.memory_space<vmem>> -> memref<128xi32, #tpu.memory_space<vmem>>
    %dma_start3A_57 = arith.constant 0 : i32
    %dma_start3A_58 = arith.constant 0 : i32
    %dma_start3A_59 = tpu.memref_slice %arg5[%dma_start3A_57, %dma_start3A_58] : memref<1000000x32xf32, #tpu.memory_space<hbm>> -> memref<1000000x32xf32, #tpu.memory_space<hbm>>
    tpu.enqueue_indirect_dma source(%dma_start3A_59 : memref<1000000x32xf32, #tpu.memory_space<hbm>>) target(%dma_start3A_53 : memref<128x32xf32, #tpu.memory_space<vmem>>) offsets(%dma_start3A_56 : memref<128xi32, #tpu.memory_space<vmem>>) semaphore(%arg18 : memref<!tpu.dma_semaphore, #tpu.memory_space<semaphore_mem>>)
    %dma_start3A_60 = arith.constant 1 : i32
    %dma_start3A_61 = arith.constant 128 : i32
    %dma_start3A_62 = tpu.memref_slice %arg14[%dma_start3A_61] : memref<512xf32, #tpu.memory_space<vmem>> -> memref<128xf32, #tpu.memory_space<vmem>>
    %dma_start3A_63 = arith.constant 0 : i32
    %dma_start3A_64 = tpu.memref_slice %arg10[%dma_start3A_60, %dma_start3A_63] : memref<4x128xi32, #tpu.memory_space<vmem>> -> memref<1x128xi32, #tpu.memory_space<vmem>>
    %dma_start3A_65 = tpu.memref_squeeze %dma_start3A_64 : memref<1x128xi32, #tpu.memory_space<vmem>> -> memref<128xi32, #tpu.memory_space<vmem>>
    %dma_start3A_66 = arith.constant 0 : i32
    %dma_start3A_67 = tpu.memref_slice %arg6[%dma_start3A_66] : memref<1000000xf32, #tpu.memory_space<hbm>> -> memref<1000000xf32, #tpu.memory_space<hbm>>
    tpu.enqueue_indirect_dma source(%dma_start3A_67 : memref<1000000xf32, #tpu.memory_space<hbm>>) target(%dma_start3A_62 : memref<128xf32, #tpu.memory_space<vmem>>) offsets(%dma_start3A_65 : memref<128xi32, #tpu.memory_space<vmem>>) semaphore(%arg18 : memref<!tpu.dma_semaphore, #tpu.memory_space<semaphore_mem>>)
    %dma_start3A_68 = arith.constant 1 : i32
    %dma_start3A_69 = arith.constant 128 : i32
    %dma_start3A_70 = tpu.memref_slice %arg15[%dma_start3A_69] : memref<512xf32, #tpu.memory_space<vmem>> -> memref<128xf32, #tpu.memory_space<vmem>>
    %dma_start3A_71 = arith.constant 0 : i32
    %dma_start3A_72 = tpu.memref_slice %arg11[%dma_start3A_68, %dma_start3A_71] : memref<4x128xi32, #tpu.memory_space<vmem>> -> memref<1x128xi32, #tpu.memory_space<vmem>>
    %dma_start3A_73 = tpu.memref_squeeze %dma_start3A_72 : memref<1x128xi32, #tpu.memory_space<vmem>> -> memref<128xi32, #tpu.memory_space<vmem>>
    %dma_start3A_74 = arith.constant 0 : i32
    %dma_start3A_75 = tpu.memref_slice %arg7[%dma_start3A_74] : memref<1000000xf32, #tpu.memory_space<hbm>> -> memref<1000000xf32, #tpu.memory_space<hbm>>
    tpu.enqueue_indirect_dma source(%dma_start3A_75 : memref<1000000xf32, #tpu.memory_space<hbm>>) target(%dma_start3A_70 : memref<128xf32, #tpu.memory_space<vmem>>) offsets(%dma_start3A_73 : memref<128xi32, #tpu.memory_space<vmem>>) semaphore(%arg18 : memref<!tpu.dma_semaphore, #tpu.memory_space<semaphore_mem>>)
    %dma_start3A_76 = arith.constant 2 : i32
    %dma_start3A_77 = arith.constant 256 : i32
    %dma_start3A_78 = arith.constant 0 : i32
    %dma_start3A_79 = tpu.memref_slice %arg12[%dma_start3A_77, %dma_start3A_78] : memref<512x32xf32, #tpu.memory_space<vmem>> -> memref<128x32xf32, #tpu.memory_space<vmem>>
    %dma_start3A_80 = arith.constant 0 : i32
    %dma_start3A_81 = tpu.memref_slice %arg10[%dma_start3A_76, %dma_start3A_80] : memref<4x128xi32, #tpu.memory_space<vmem>> -> memref<1x128xi32, #tpu.memory_space<vmem>>
    %dma_start3A_82 = tpu.memref_squeeze %dma_start3A_81 : memref<1x128xi32, #tpu.memory_space<vmem>> -> memref<128xi32, #tpu.memory_space<vmem>>
    %dma_start3A_83 = arith.constant 0 : i32
    %dma_start3A_84 = arith.constant 0 : i32
    %dma_start3A_85 = tpu.memref_slice %arg4[%dma_start3A_83, %dma_start3A_84] : memref<1000000x32xf32, #tpu.memory_space<hbm>> -> memref<1000000x32xf32, #tpu.memory_space<hbm>>
    tpu.enqueue_indirect_dma source(%dma_start3A_85 : memref<1000000x32xf32, #tpu.memory_space<hbm>>) target(%dma_start3A_79 : memref<128x32xf32, #tpu.memory_space<vmem>>) offsets(%dma_start3A_82 : memref<128xi32, #tpu.memory_space<vmem>>) semaphore(%arg18 : memref<!tpu.dma_semaphore, #tpu.memory_space<semaphore_mem>>)
    %dma_start3A_86 = arith.constant 2 : i32
    %dma_start3A_87 = arith.constant 256 : i32
    %dma_start3A_88 = arith.constant 0 : i32
    %dma_start3A_89 = tpu.memref_slice %arg13[%dma_start3A_87, %dma_start3A_88] : memref<512x32xf32, #tpu.memory_space<vmem>> -> memref<128x32xf32, #tpu.memory_space<vmem>>
    %dma_start3A_90 = arith.constant 0 : i32
    %dma_start3A_91 = tpu.memref_slice %arg11[%dma_start3A_86, %dma_start3A_90] : memref<4x128xi32, #tpu.memory_space<vmem>> -> memref<1x128xi32, #tpu.memory_space<vmem>>
    %dma_start3A_92 = tpu.memref_squeeze %dma_start3A_91 : memref<1x128xi32, #tpu.memory_space<vmem>> -> memref<128xi32, #tpu.memory_space<vmem>>
    %dma_start3A_93 = arith.constant 0 : i32
    %dma_start3A_94 = arith.constant 0 : i32
    %dma_start3A_95 = tpu.memref_slice %arg5[%dma_start3A_93, %dma_start3A_94] : memref<1000000x32xf32, #tpu.memory_space<hbm>> -> memref<1000000x32xf32, #tpu.memory_space<hbm>>
    tpu.enqueue_indirect_dma source(%dma_start3A_95 : memref<1000000x32xf32, #tpu.memory_space<hbm>>) target(%dma_start3A_89 : memref<128x32xf32, #tpu.memory_space<vmem>>) offsets(%dma_start3A_92 : memref<128xi32, #tpu.memory_space<vmem>>) semaphore(%arg18 : memref<!tpu.dma_semaphore, #tpu.memory_space<semaphore_mem>>)
    %dma_start3A_96 = arith.constant 2 : i32
    %dma_start3A_97 = arith.constant 256 : i32
    %dma_start3A_98 = tpu.memref_slice %arg14[%dma_start3A_97] : memref<512xf32, #tpu.memory_space<vmem>> -> memref<128xf32, #tpu.memory_space<vmem>>
    %dma_start3A_99 = arith.constant 0 : i32
    %dma_start3A_100 = tpu.memref_slice %arg10[%dma_start3A_96, %dma_start3A_99] : memref<4x128xi32, #tpu.memory_space<vmem>> -> memref<1x128xi32, #tpu.memory_space<vmem>>
    %dma_start3A_101 = tpu.memref_squeeze %dma_start3A_100 : memref<1x128xi32, #tpu.memory_space<vmem>> -> memref<128xi32, #tpu.memory_space<vmem>>
    %dma_start3A_102 = arith.constant 0 : i32
    %dma_start3A_103 = tpu.memref_slice %arg6[%dma_start3A_102] : memref<1000000xf32, #tpu.memory_space<hbm>> -> memref<1000000xf32, #tpu.memory_space<hbm>>
    tpu.enqueue_indirect_dma source(%dma_start3A_103 : memref<1000000xf32, #tpu.memory_space<hbm>>) target(%dma_start3A_98 : memref<128xf32, #tpu.memory_space<vmem>>) offsets(%dma_start3A_101 : memref<128xi32, #tpu.memory_space<vmem>>) semaphore(%arg18 : memref<!tpu.dma_semaphore, #tpu.memory_space<semaphore_mem>>)
    %dma_start3A_104 = arith.constant 2 : i32
    %dma_start3A_105 = arith.constant 256 : i32
    %dma_start3A_106 = tpu.memref_slice %arg15[%dma_start3A_105] : memref<512xf32, #tpu.memory_space<vmem>> -> memref<128xf32, #tpu.memory_space<vmem>>
    %dma_start3A_107 = arith.constant 0 : i32
    %dma_start3A_108 = tpu.memref_slice %arg11[%dma_start3A_104, %dma_start3A_107] : memref<4x128xi32, #tpu.memory_space<vmem>> -> memref<1x128xi32, #tpu.memory_space<vmem>>
    %dma_start3A_109 = tpu.memref_squeeze %dma_start3A_108 : memref<1x128xi32, #tpu.memory_space<vmem>> -> memref<128xi32, #tpu.memory_space<vmem>>
    %dma_start3A_110 = arith.constant 0 : i32
    %dma_start3A_111 = tpu.memref_slice %arg7[%dma_start3A_110] : memref<1000000xf32, #tpu.memory_space<hbm>> -> memref<1000000xf32, #tpu.memory_space<hbm>>
    tpu.enqueue_indirect_dma source(%dma_start3A_111 : memref<1000000xf32, #tpu.memory_space<hbm>>) target(%dma_start3A_106 : memref<128xf32, #tpu.memory_space<vmem>>) offsets(%dma_start3A_109 : memref<128xi32, #tpu.memory_space<vmem>>) semaphore(%arg18 : memref<!tpu.dma_semaphore, #tpu.memory_space<semaphore_mem>>)
    %dma_start3A_112 = arith.constant 3 : i32
    %dma_start3A_113 = arith.constant 384 : i32
    %dma_start3A_114 = arith.constant 0 : i32
    %dma_start3A_115 = tpu.memref_slice %arg12[%dma_start3A_113, %dma_start3A_114] : memref<512x32xf32, #tpu.memory_space<vmem>> -> memref<128x32xf32, #tpu.memory_space<vmem>>
    %dma_start3A_116 = arith.constant 0 : i32
    %dma_start3A_117 = tpu.memref_slice %arg10[%dma_start3A_112, %dma_start3A_116] : memref<4x128xi32, #tpu.memory_space<vmem>> -> memref<1x128xi32, #tpu.memory_space<vmem>>
    %dma_start3A_118 = tpu.memref_squeeze %dma_start3A_117 : memref<1x128xi32, #tpu.memory_space<vmem>> -> memref<128xi32, #tpu.memory_space<vmem>>
    %dma_start3A_119 = arith.constant 0 : i32
    %dma_start3A_120 = arith.constant 0 : i32
    %dma_start3A_121 = tpu.memref_slice %arg4[%dma_start3A_119, %dma_start3A_120] : memref<1000000x32xf32, #tpu.memory_space<hbm>> -> memref<1000000x32xf32, #tpu.memory_space<hbm>>
    tpu.enqueue_indirect_dma source(%dma_start3A_121 : memref<1000000x32xf32, #tpu.memory_space<hbm>>) target(%dma_start3A_115 : memref<128x32xf32, #tpu.memory_space<vmem>>) offsets(%dma_start3A_118 : memref<128xi32, #tpu.memory_space<vmem>>) semaphore(%arg18 : memref<!tpu.dma_semaphore, #tpu.memory_space<semaphore_mem>>)
    %dma_start3A_122 = arith.constant 3 : i32
    %dma_start3A_123 = arith.constant 384 : i32
    %dma_start3A_124 = arith.constant 0 : i32
    %dma_start3A_125 = tpu.memref_slice %arg13[%dma_start3A_123, %dma_start3A_124] : memref<512x32xf32, #tpu.memory_space<vmem>> -> memref<128x32xf32, #tpu.memory_space<vmem>>
    %dma_start3A_126 = arith.constant 0 : i32
    %dma_start3A_127 = tpu.memref_slice %arg11[%dma_start3A_122, %dma_start3A_126] : memref<4x128xi32, #tpu.memory_space<vmem>> -> memref<1x128xi32, #tpu.memory_space<vmem>>
    %dma_start3A_128 = tpu.memref_squeeze %dma_start3A_127 : memref<1x128xi32, #tpu.memory_space<vmem>> -> memref<128xi32, #tpu.memory_space<vmem>>
    %dma_start3A_129 = arith.constant 0 : i32
    %dma_start3A_130 = arith.constant 0 : i32
    %dma_start3A_131 = tpu.memref_slice %arg5[%dma_start3A_129, %dma_start3A_130] : memref<1000000x32xf32, #tpu.memory_space<hbm>> -> memref<1000000x32xf32, #tpu.memory_space<hbm>>
    tpu.enqueue_indirect_dma source(%dma_start3A_131 : memref<1000000x32xf32, #tpu.memory_space<hbm>>) target(%dma_start3A_125 : memref<128x32xf32, #tpu.memory_space<vmem>>) offsets(%dma_start3A_128 : memref<128xi32, #tpu.memory_space<vmem>>) semaphore(%arg18 : memref<!tpu.dma_semaphore, #tpu.memory_space<semaphore_mem>>)
    %dma_start3A_132 = arith.constant 3 : i32
    %dma_start3A_133 = arith.constant 384 : i32
    %dma_start3A_134 = tpu.memref_slice %arg14[%dma_start3A_133] : memref<512xf32, #tpu.memory_space<vmem>> -> memref<128xf32, #tpu.memory_space<vmem>>
    %dma_start3A_135 = arith.constant 0 : i32
    %dma_start3A_136 = tpu.memref_slice %arg10[%dma_start3A_132, %dma_start3A_135] : memref<4x128xi32, #tpu.memory_space<vmem>> -> memref<1x128xi32, #tpu.memory_space<vmem>>
    %dma_start3A_137 = tpu.memref_squeeze %dma_start3A_136 : memref<1x128xi32, #tpu.memory_space<vmem>> -> memref<128xi32, #tpu.memory_space<vmem>>
    %dma_start3A_138 = arith.constant 0 : i32
    %dma_start3A_139 = tpu.memref_slice %arg6[%dma_start3A_138] : memref<1000000xf32, #tpu.memory_space<hbm>> -> memref<1000000xf32, #tpu.memory_space<hbm>>
    tpu.enqueue_indirect_dma source(%dma_start3A_139 : memref<1000000xf32, #tpu.memory_space<hbm>>) target(%dma_start3A_134 : memref<128xf32, #tpu.memory_space<vmem>>) offsets(%dma_start3A_137 : memref<128xi32, #tpu.memory_space<vmem>>) semaphore(%arg18 : memref<!tpu.dma_semaphore, #tpu.memory_space<semaphore_mem>>)
    %dma_start3A_140 = arith.constant 3 : i32
    %dma_start3A_141 = arith.constant 384 : i32
    %dma_start3A_142 = tpu.memref_slice %arg15[%dma_start3A_141] : memref<512xf32, #tpu.memory_space<vmem>> -> memref<128xf32, #tpu.memory_space<vmem>>
    %dma_start3A_143 = arith.constant 0 : i32
    %dma_start3A_144 = tpu.memref_slice %arg11[%dma_start3A_140, %dma_start3A_143] : memref<4x128xi32, #tpu.memory_space<vmem>> -> memref<1x128xi32, #tpu.memory_space<vmem>>
    %dma_start3A_145 = tpu.memref_squeeze %dma_start3A_144 : memref<1x128xi32, #tpu.memory_space<vmem>> -> memref<128xi32, #tpu.memory_space<vmem>>
    %dma_start3A_146 = arith.constant 0 : i32
    %dma_start3A_147 = tpu.memref_slice %arg7[%dma_start3A_146] : memref<1000000xf32, #tpu.memory_space<hbm>> -> memref<1000000xf32, #tpu.memory_space<hbm>>
    tpu.enqueue_indirect_dma source(%dma_start3A_147 : memref<1000000xf32, #tpu.memory_space<hbm>>) target(%dma_start3A_142 : memref<128xf32, #tpu.memory_space<vmem>>) offsets(%dma_start3A_145 : memref<128xi32, #tpu.memory_space<vmem>>) semaphore(%arg18 : memref<!tpu.dma_semaphore, #tpu.memory_space<semaphore_mem>>)
    %dma_wait3A = arith.constant 0 : i32
    %dma_wait3A_148 = arith.constant 0 : i32
    %dma_wait3A_149 = arith.constant 0 : i32
    %dma_wait3A_150 = tpu.memref_slice %arg12[%dma_wait3A_148, %dma_wait3A_149] : memref<512x32xf32, #tpu.memory_space<vmem>> -> memref<128x32xf32, #tpu.memory_space<vmem>>
    %dma_wait3A_151 = arith.constant 0 : i32
    %dma_wait3A_152 = tpu.memref_slice %arg10[%dma_wait3A, %dma_wait3A_151] : memref<4x128xi32, #tpu.memory_space<vmem>> -> memref<1x128xi32, #tpu.memory_space<vmem>>
    %dma_wait3A_153 = tpu.memref_squeeze %dma_wait3A_152 : memref<1x128xi32, #tpu.memory_space<vmem>> -> memref<128xi32, #tpu.memory_space<vmem>>
    %dma_wait3A_154 = arith.constant 0 : i32
    %dma_wait3A_155 = arith.constant 0 : i32
    %dma_wait3A_156 = tpu.memref_slice %arg4[%dma_wait3A_154, %dma_wait3A_155] : memref<1000000x32xf32, #tpu.memory_space<hbm>> -> memref<1000000x32xf32, #tpu.memory_space<hbm>>
    tpu.wait_indirect_dma semaphore(%arg18 : memref<!tpu.dma_semaphore, #tpu.memory_space<semaphore_mem>>) src(%dma_wait3A_156 : memref<1000000x32xf32, #tpu.memory_space<hbm>>) dst(%dma_wait3A_150 : memref<128x32xf32, #tpu.memory_space<vmem>>)
    %dma_wait3A_157 = arith.constant 0 : i32
    %dma_wait3A_158 = arith.constant 0 : i32
    %dma_wait3A_159 = arith.constant 0 : i32
    %dma_wait3A_160 = tpu.memref_slice %arg13[%dma_wait3A_158, %dma_wait3A_159] : memref<512x32xf32, #tpu.memory_space<vmem>> -> memref<128x32xf32, #tpu.memory_space<vmem>>
    %dma_wait3A_161 = arith.constant 0 : i32
    %dma_wait3A_162 = tpu.memref_slice %arg11[%dma_wait3A_157, %dma_wait3A_161] : memref<4x128xi32, #tpu.memory_space<vmem>> -> memref<1x128xi32, #tpu.memory_space<vmem>>
    %dma_wait3A_163 = tpu.memref_squeeze %dma_wait3A_162 : memref<1x128xi32, #tpu.memory_space<vmem>> -> memref<128xi32, #tpu.memory_space<vmem>>
    %dma_wait3A_164 = arith.constant 0 : i32
    %dma_wait3A_165 = arith.constant 0 : i32
    %dma_wait3A_166 = tpu.memref_slice %arg5[%dma_wait3A_164, %dma_wait3A_165] : memref<1000000x32xf32, #tpu.memory_space<hbm>> -> memref<1000000x32xf32, #tpu.memory_space<hbm>>
    tpu.wait_indirect_dma semaphore(%arg18 : memref<!tpu.dma_semaphore, #tpu.memory_space<semaphore_mem>>) src(%dma_wait3A_166 : memref<1000000x32xf32, #tpu.memory_space<hbm>>) dst(%dma_wait3A_160 : memref<128x32xf32, #tpu.memory_space<vmem>>)
    %dma_wait3A_167 = arith.constant 0 : i32
    %dma_wait3A_168 = arith.constant 0 : i32
    %dma_wait3A_169 = tpu.memref_slice %arg14[%dma_wait3A_168] : memref<512xf32, #tpu.memory_space<vmem>> -> memref<128xf32, #tpu.memory_space<vmem>>
    %dma_wait3A_170 = arith.constant 0 : i32
    %dma_wait3A_171 = tpu.memref_slice %arg10[%dma_wait3A_167, %dma_wait3A_170] : memref<4x128xi32, #tpu.memory_space<vmem>> -> memref<1x128xi32, #tpu.memory_space<vmem>>
    %dma_wait3A_172 = tpu.memref_squeeze %dma_wait3A_171 : memref<1x128xi32, #tpu.memory_space<vmem>> -> memref<128xi32, #tpu.memory_space<vmem>>
    %dma_wait3A_173 = arith.constant 0 : i32
    %dma_wait3A_174 = tpu.memref_slice %arg6[%dma_wait3A_173] : memref<1000000xf32, #tpu.memory_space<hbm>> -> memref<1000000xf32, #tpu.memory_space<hbm>>
    tpu.wait_indirect_dma semaphore(%arg18 : memref<!tpu.dma_semaphore, #tpu.memory_space<semaphore_mem>>) src(%dma_wait3A_174 : memref<1000000xf32, #tpu.memory_space<hbm>>) dst(%dma_wait3A_169 : memref<128xf32, #tpu.memory_space<vmem>>)
    %dma_wait3A_175 = arith.constant 0 : i32
    %dma_wait3A_176 = arith.constant 0 : i32
    %dma_wait3A_177 = tpu.memref_slice %arg15[%dma_wait3A_176] : memref<512xf32, #tpu.memory_space<vmem>> -> memref<128xf32, #tpu.memory_space<vmem>>
    %dma_wait3A_178 = arith.constant 0 : i32
    %dma_wait3A_179 = tpu.memref_slice %arg11[%dma_wait3A_175, %dma_wait3A_178] : memref<4x128xi32, #tpu.memory_space<vmem>> -> memref<1x128xi32, #tpu.memory_space<vmem>>
    %dma_wait3A_180 = tpu.memref_squeeze %dma_wait3A_179 : memref<1x128xi32, #tpu.memory_space<vmem>> -> memref<128xi32, #tpu.memory_space<vmem>>
    %dma_wait3A_181 = arith.constant 0 : i32
    %dma_wait3A_182 = tpu.memref_slice %arg7[%dma_wait3A_181] : memref<1000000xf32, #tpu.memory_space<hbm>> -> memref<1000000xf32, #tpu.memory_space<hbm>>
    tpu.wait_indirect_dma semaphore(%arg18 : memref<!tpu.dma_semaphore, #tpu.memory_space<semaphore_mem>>) src(%dma_wait3A_182 : memref<1000000xf32, #tpu.memory_space<hbm>>) dst(%dma_wait3A_177 : memref<128xf32, #tpu.memory_space<vmem>>)
    %dma_wait3A_183 = arith.constant 1 : i32
    %dma_wait3A_184 = arith.constant 128 : i32
    %dma_wait3A_185 = arith.constant 0 : i32
    %dma_wait3A_186 = tpu.memref_slice %arg12[%dma_wait3A_184, %dma_wait3A_185] : memref<512x32xf32, #tpu.memory_space<vmem>> -> memref<128x32xf32, #tpu.memory_space<vmem>>
    %dma_wait3A_187 = arith.constant 0 : i32
    %dma_wait3A_188 = tpu.memref_slice %arg10[%dma_wait3A_183, %dma_wait3A_187] : memref<4x128xi32, #tpu.memory_space<vmem>> -> memref<1x128xi32, #tpu.memory_space<vmem>>
    %dma_wait3A_189 = tpu.memref_squeeze %dma_wait3A_188 : memref<1x128xi32, #tpu.memory_space<vmem>> -> memref<128xi32, #tpu.memory_space<vmem>>
    %dma_wait3A_190 = arith.constant 0 : i32
    %dma_wait3A_191 = arith.constant 0 : i32
    %dma_wait3A_192 = tpu.memref_slice %arg4[%dma_wait3A_190, %dma_wait3A_191] : memref<1000000x32xf32, #tpu.memory_space<hbm>> -> memref<1000000x32xf32, #tpu.memory_space<hbm>>
    tpu.wait_indirect_dma semaphore(%arg18 : memref<!tpu.dma_semaphore, #tpu.memory_space<semaphore_mem>>) src(%dma_wait3A_192 : memref<1000000x32xf32, #tpu.memory_space<hbm>>) dst(%dma_wait3A_186 : memref<128x32xf32, #tpu.memory_space<vmem>>)
    %dma_wait3A_193 = arith.constant 1 : i32
    %dma_wait3A_194 = arith.constant 128 : i32
    %dma_wait3A_195 = arith.constant 0 : i32
    %dma_wait3A_196 = tpu.memref_slice %arg13[%dma_wait3A_194, %dma_wait3A_195] : memref<512x32xf32, #tpu.memory_space<vmem>> -> memref<128x32xf32, #tpu.memory_space<vmem>>
    %dma_wait3A_197 = arith.constant 0 : i32
    %dma_wait3A_198 = tpu.memref_slice %arg11[%dma_wait3A_193, %dma_wait3A_197] : memref<4x128xi32, #tpu.memory_space<vmem>> -> memref<1x128xi32, #tpu.memory_space<vmem>>
    %dma_wait3A_199 = tpu.memref_squeeze %dma_wait3A_198 : memref<1x128xi32, #tpu.memory_space<vmem>> -> memref<128xi32, #tpu.memory_space<vmem>>
    %dma_wait3A_200 = arith.constant 0 : i32
    %dma_wait3A_201 = arith.constant 0 : i32
    %dma_wait3A_202 = tpu.memref_slice %arg5[%dma_wait3A_200, %dma_wait3A_201] : memref<1000000x32xf32, #tpu.memory_space<hbm>> -> memref<1000000x32xf32, #tpu.memory_space<hbm>>
    tpu.wait_indirect_dma semaphore(%arg18 : memref<!tpu.dma_semaphore, #tpu.memory_space<semaphore_mem>>) src(%dma_wait3A_202 : memref<1000000x32xf32, #tpu.memory_space<hbm>>) dst(%dma_wait3A_196 : memref<128x32xf32, #tpu.memory_space<vmem>>)
    %dma_wait3A_203 = arith.constant 1 : i32
    %dma_wait3A_204 = arith.constant 128 : i32
    %dma_wait3A_205 = tpu.memref_slice %arg14[%dma_wait3A_204] : memref<512xf32, #tpu.memory_space<vmem>> -> memref<128xf32, #tpu.memory_space<vmem>>
    %dma_wait3A_206 = arith.constant 0 : i32
    %dma_wait3A_207 = tpu.memref_slice %arg10[%dma_wait3A_203, %dma_wait3A_206] : memref<4x128xi32, #tpu.memory_space<vmem>> -> memref<1x128xi32, #tpu.memory_space<vmem>>
    %dma_wait3A_208 = tpu.memref_squeeze %dma_wait3A_207 : memref<1x128xi32, #tpu.memory_space<vmem>> -> memref<128xi32, #tpu.memory_space<vmem>>
    %dma_wait3A_209 = arith.constant 0 : i32
    %dma_wait3A_210 = tpu.memref_slice %arg6[%dma_wait3A_209] : memref<1000000xf32, #tpu.memory_space<hbm>> -> memref<1000000xf32, #tpu.memory_space<hbm>>
    tpu.wait_indirect_dma semaphore(%arg18 : memref<!tpu.dma_semaphore, #tpu.memory_space<semaphore_mem>>) src(%dma_wait3A_210 : memref<1000000xf32, #tpu.memory_space<hbm>>) dst(%dma_wait3A_205 : memref<128xf32, #tpu.memory_space<vmem>>)
    %dma_wait3A_211 = arith.constant 1 : i32
    %dma_wait3A_212 = arith.constant 128 : i32
    %dma_wait3A_213 = tpu.memref_slice %arg15[%dma_wait3A_212] : memref<512xf32, #tpu.memory_space<vmem>> -> memref<128xf32, #tpu.memory_space<vmem>>
    %dma_wait3A_214 = arith.constant 0 : i32
    %dma_wait3A_215 = tpu.memref_slice %arg11[%dma_wait3A_211, %dma_wait3A_214] : memref<4x128xi32, #tpu.memory_space<vmem>> -> memref<1x128xi32, #tpu.memory_space<vmem>>
    %dma_wait3A_216 = tpu.memref_squeeze %dma_wait3A_215 : memref<1x128xi32, #tpu.memory_space<vmem>> -> memref<128xi32, #tpu.memory_space<vmem>>
    %dma_wait3A_217 = arith.constant 0 : i32
    %dma_wait3A_218 = tpu.memref_slice %arg7[%dma_wait3A_217] : memref<1000000xf32, #tpu.memory_space<hbm>> -> memref<1000000xf32, #tpu.memory_space<hbm>>
    tpu.wait_indirect_dma semaphore(%arg18 : memref<!tpu.dma_semaphore, #tpu.memory_space<semaphore_mem>>) src(%dma_wait3A_218 : memref<1000000xf32, #tpu.memory_space<hbm>>) dst(%dma_wait3A_213 : memref<128xf32, #tpu.memory_space<vmem>>)
    %dma_wait3A_219 = arith.constant 2 : i32
    %dma_wait3A_220 = arith.constant 256 : i32
    %dma_wait3A_221 = arith.constant 0 : i32
    %dma_wait3A_222 = tpu.memref_slice %arg12[%dma_wait3A_220, %dma_wait3A_221] : memref<512x32xf32, #tpu.memory_space<vmem>> -> memref<128x32xf32, #tpu.memory_space<vmem>>
    %dma_wait3A_223 = arith.constant 0 : i32
    %dma_wait3A_224 = tpu.memref_slice %arg10[%dma_wait3A_219, %dma_wait3A_223] : memref<4x128xi32, #tpu.memory_space<vmem>> -> memref<1x128xi32, #tpu.memory_space<vmem>>
    %dma_wait3A_225 = tpu.memref_squeeze %dma_wait3A_224 : memref<1x128xi32, #tpu.memory_space<vmem>> -> memref<128xi32, #tpu.memory_space<vmem>>
    %dma_wait3A_226 = arith.constant 0 : i32
    %dma_wait3A_227 = arith.constant 0 : i32
    %dma_wait3A_228 = tpu.memref_slice %arg4[%dma_wait3A_226, %dma_wait3A_227] : memref<1000000x32xf32, #tpu.memory_space<hbm>> -> memref<1000000x32xf32, #tpu.memory_space<hbm>>
    tpu.wait_indirect_dma semaphore(%arg18 : memref<!tpu.dma_semaphore, #tpu.memory_space<semaphore_mem>>) src(%dma_wait3A_228 : memref<1000000x32xf32, #tpu.memory_space<hbm>>) dst(%dma_wait3A_222 : memref<128x32xf32, #tpu.memory_space<vmem>>)
    %dma_wait3A_229 = arith.constant 2 : i32
    %dma_wait3A_230 = arith.constant 256 : i32
    %dma_wait3A_231 = arith.constant 0 : i32
    %dma_wait3A_232 = tpu.memref_slice %arg13[%dma_wait3A_230, %dma_wait3A_231] : memref<512x32xf32, #tpu.memory_space<vmem>> -> memref<128x32xf32, #tpu.memory_space<vmem>>
    %dma_wait3A_233 = arith.constant 0 : i32
    %dma_wait3A_234 = tpu.memref_slice %arg11[%dma_wait3A_229, %dma_wait3A_233] : memref<4x128xi32, #tpu.memory_space<vmem>> -> memref<1x128xi32, #tpu.memory_space<vmem>>
    %dma_wait3A_235 = tpu.memref_squeeze %dma_wait3A_234 : memref<1x128xi32, #tpu.memory_space<vmem>> -> memref<128xi32, #tpu.memory_space<vmem>>
    %dma_wait3A_236 = arith.constant 0 : i32
    %dma_wait3A_237 = arith.constant 0 : i32
    %dma_wait3A_238 = tpu.memref_slice %arg5[%dma_wait3A_236, %dma_wait3A_237] : memref<1000000x32xf32, #tpu.memory_space<hbm>> -> memref<1000000x32xf32, #tpu.memory_space<hbm>>
    tpu.wait_indirect_dma semaphore(%arg18 : memref<!tpu.dma_semaphore, #tpu.memory_space<semaphore_mem>>) src(%dma_wait3A_238 : memref<1000000x32xf32, #tpu.memory_space<hbm>>) dst(%dma_wait3A_232 : memref<128x32xf32, #tpu.memory_space<vmem>>)
    %dma_wait3A_239 = arith.constant 2 : i32
    %dma_wait3A_240 = arith.constant 256 : i32
    %dma_wait3A_241 = tpu.memref_slice %arg14[%dma_wait3A_240] : memref<512xf32, #tpu.memory_space<vmem>> -> memref<128xf32, #tpu.memory_space<vmem>>
    %dma_wait3A_242 = arith.constant 0 : i32
    %dma_wait3A_243 = tpu.memref_slice %arg10[%dma_wait3A_239, %dma_wait3A_242] : memref<4x128xi32, #tpu.memory_space<vmem>> -> memref<1x128xi32, #tpu.memory_space<vmem>>
    %dma_wait3A_244 = tpu.memref_squeeze %dma_wait3A_243 : memref<1x128xi32, #tpu.memory_space<vmem>> -> memref<128xi32, #tpu.memory_space<vmem>>
    %dma_wait3A_245 = arith.constant 0 : i32
    %dma_wait3A_246 = tpu.memref_slice %arg6[%dma_wait3A_245] : memref<1000000xf32, #tpu.memory_space<hbm>> -> memref<1000000xf32, #tpu.memory_space<hbm>>
    tpu.wait_indirect_dma semaphore(%arg18 : memref<!tpu.dma_semaphore, #tpu.memory_space<semaphore_mem>>) src(%dma_wait3A_246 : memref<1000000xf32, #tpu.memory_space<hbm>>) dst(%dma_wait3A_241 : memref<128xf32, #tpu.memory_space<vmem>>)
    %dma_wait3A_247 = arith.constant 2 : i32
    %dma_wait3A_248 = arith.constant 256 : i32
    %dma_wait3A_249 = tpu.memref_slice %arg15[%dma_wait3A_248] : memref<512xf32, #tpu.memory_space<vmem>> -> memref<128xf32, #tpu.memory_space<vmem>>
    %dma_wait3A_250 = arith.constant 0 : i32
    %dma_wait3A_251 = tpu.memref_slice %arg11[%dma_wait3A_247, %dma_wait3A_250] : memref<4x128xi32, #tpu.memory_space<vmem>> -> memref<1x128xi32, #tpu.memory_space<vmem>>
    %dma_wait3A_252 = tpu.memref_squeeze %dma_wait3A_251 : memref<1x128xi32, #tpu.memory_space<vmem>> -> memref<128xi32, #tpu.memory_space<vmem>>
    %dma_wait3A_253 = arith.constant 0 : i32
    %dma_wait3A_254 = tpu.memref_slice %arg7[%dma_wait3A_253] : memref<1000000xf32, #tpu.memory_space<hbm>> -> memref<1000000xf32, #tpu.memory_space<hbm>>
    tpu.wait_indirect_dma semaphore(%arg18 : memref<!tpu.dma_semaphore, #tpu.memory_space<semaphore_mem>>) src(%dma_wait3A_254 : memref<1000000xf32, #tpu.memory_space<hbm>>) dst(%dma_wait3A_249 : memref<128xf32, #tpu.memory_space<vmem>>)
    %dma_wait3A_255 = arith.constant 3 : i32
    %dma_wait3A_256 = arith.constant 384 : i32
    %dma_wait3A_257 = arith.constant 0 : i32
    %dma_wait3A_258 = tpu.memref_slice %arg12[%dma_wait3A_256, %dma_wait3A_257] : memref<512x32xf32, #tpu.memory_space<vmem>> -> memref<128x32xf32, #tpu.memory_space<vmem>>
    %dma_wait3A_259 = arith.constant 0 : i32
    %dma_wait3A_260 = tpu.memref_slice %arg10[%dma_wait3A_255, %dma_wait3A_259] : memref<4x128xi32, #tpu.memory_space<vmem>> -> memref<1x128xi32, #tpu.memory_space<vmem>>
    %dma_wait3A_261 = tpu.memref_squeeze %dma_wait3A_260 : memref<1x128xi32, #tpu.memory_space<vmem>> -> memref<128xi32, #tpu.memory_space<vmem>>
    %dma_wait3A_262 = arith.constant 0 : i32
    %dma_wait3A_263 = arith.constant 0 : i32
    %dma_wait3A_264 = tpu.memref_slice %arg4[%dma_wait3A_262, %dma_wait3A_263] : memref<1000000x32xf32, #tpu.memory_space<hbm>> -> memref<1000000x32xf32, #tpu.memory_space<hbm>>
    tpu.wait_indirect_dma semaphore(%arg18 : memref<!tpu.dma_semaphore, #tpu.memory_space<semaphore_mem>>) src(%dma_wait3A_264 : memref<1000000x32xf32, #tpu.memory_space<hbm>>) dst(%dma_wait3A_258 : memref<128x32xf32, #tpu.memory_space<vmem>>)
    %dma_wait3A_265 = arith.constant 3 : i32
    %dma_wait3A_266 = arith.constant 384 : i32
    %dma_wait3A_267 = arith.constant 0 : i32
    %dma_wait3A_268 = tpu.memref_slice %arg13[%dma_wait3A_266, %dma_wait3A_267] : memref<512x32xf32, #tpu.memory_space<vmem>> -> memref<128x32xf32, #tpu.memory_space<vmem>>
    %dma_wait3A_269 = arith.constant 0 : i32
    %dma_wait3A_270 = tpu.memref_slice %arg11[%dma_wait3A_265, %dma_wait3A_269] : memref<4x128xi32, #tpu.memory_space<vmem>> -> memref<1x128xi32, #tpu.memory_space<vmem>>
    %dma_wait3A_271 = tpu.memref_squeeze %dma_wait3A_270 : memref<1x128xi32, #tpu.memory_space<vmem>> -> memref<128xi32, #tpu.memory_space<vmem>>
    %dma_wait3A_272 = arith.constant 0 : i32
    %dma_wait3A_273 = arith.constant 0 : i32
    %dma_wait3A_274 = tpu.memref_slice %arg5[%dma_wait3A_272, %dma_wait3A_273] : memref<1000000x32xf32, #tpu.memory_space<hbm>> -> memref<1000000x32xf32, #tpu.memory_space<hbm>>
    tpu.wait_indirect_dma semaphore(%arg18 : memref<!tpu.dma_semaphore, #tpu.memory_space<semaphore_mem>>) src(%dma_wait3A_274 : memref<1000000x32xf32, #tpu.memory_space<hbm>>) dst(%dma_wait3A_268 : memref<128x32xf32, #tpu.memory_space<vmem>>)
    %dma_wait3A_275 = arith.constant 3 : i32
    %dma_wait3A_276 = arith.constant 384 : i32
    %dma_wait3A_277 = tpu.memref_slice %arg14[%dma_wait3A_276] : memref<512xf32, #tpu.memory_space<vmem>> -> memref<128xf32, #tpu.memory_space<vmem>>
    %dma_wait3A_278 = arith.constant 0 : i32
    %dma_wait3A_279 = tpu.memref_slice %arg10[%dma_wait3A_275, %dma_wait3A_278] : memref<4x128xi32, #tpu.memory_space<vmem>> -> memref<1x128xi32, #tpu.memory_space<vmem>>
    %dma_wait3A_280 = tpu.memref_squeeze %dma_wait3A_279 : memref<1x128xi32, #tpu.memory_space<vmem>> -> memref<128xi32, #tpu.memory_space<vmem>>
    %dma_wait3A_281 = arith.constant 0 : i32
    %dma_wait3A_282 = tpu.memref_slice %arg6[%dma_wait3A_281] : memref<1000000xf32, #tpu.memory_space<hbm>> -> memref<1000000xf32, #tpu.memory_space<hbm>>
    tpu.wait_indirect_dma semaphore(%arg18 : memref<!tpu.dma_semaphore, #tpu.memory_space<semaphore_mem>>) src(%dma_wait3A_282 : memref<1000000xf32, #tpu.memory_space<hbm>>) dst(%dma_wait3A_277 : memref<128xf32, #tpu.memory_space<vmem>>)
    %dma_wait3A_283 = arith.constant 3 : i32
    %dma_wait3A_284 = arith.constant 384 : i32
    %dma_wait3A_285 = tpu.memref_slice %arg15[%dma_wait3A_284] : memref<512xf32, #tpu.memory_space<vmem>> -> memref<128xf32, #tpu.memory_space<vmem>>
    %dma_wait3A_286 = arith.constant 0 : i32
    %dma_wait3A_287 = tpu.memref_slice %arg11[%dma_wait3A_283, %dma_wait3A_286] : memref<4x128xi32, #tpu.memory_space<vmem>> -> memref<1x128xi32, #tpu.memory_space<vmem>>
    %dma_wait3A_288 = tpu.memref_squeeze %dma_wait3A_287 : memref<1x128xi32, #tpu.memory_space<vmem>> -> memref<128xi32, #tpu.memory_space<vmem>>
    %dma_wait3A_289 = arith.constant 0 : i32
    %dma_wait3A_290 = tpu.memref_slice %arg7[%dma_wait3A_289] : memref<1000000xf32, #tpu.memory_space<hbm>> -> memref<1000000xf32, #tpu.memory_space<hbm>>
    tpu.wait_indirect_dma semaphore(%arg18 : memref<!tpu.dma_semaphore, #tpu.memory_space<semaphore_mem>>) src(%dma_wait3A_290 : memref<1000000xf32, #tpu.memory_space<hbm>>) dst(%dma_wait3A_285 : memref<128xf32, #tpu.memory_space<vmem>>)
    %iota3A = tpu.iota {dimensions = array<i32: 0>} : vector<16xi32>
    %get3A = arith.constant 0 : index
    %get3A_291 = tpu.vector_load %arg17[%get3A] {strides = array<i32>} : memref<16xf32, #tpu.memory_space<vmem>>, vector<16xf32>,
    %scan3A = arith.constant 0 : i32
    %scan3A_292 = arith.constant 1.000000e+00 : f32
    %scan3A_293 = arith.constant 0 : i32
    %scan3A_294 = arith.constant 32 : i32
    %scan3A_295 = arith.addi %scan3A_293, %scan3A_294 : i32
    %scan3A_296 = arith.constant 1 : i32
    scf.for %scan3A_298 = %scan3A_293 to %scan3A_295 step %scan3A_296  : i32 {
      %mul3A_299 = arith.constant 16 : i32
      %mul3A_300 = arith.muli %scan3A_298, %mul3A_299 : i32
      %add3A_301 = vector.broadcast %mul3A_300 : i32 to vector<16xi32>
      %add3A_302 = arith.addi %add3A_301, %iota3A : vector<16xi32>
      %broadcast_in_dim3A = arith.constant 0.000000e+00 : f32
      %broadcast_in_dim3A_303 = vector.broadcast %broadcast_in_dim3A : f32 to vector<16xf32>
      %broadcast_in_dim3A_304 = arith.constant 0.000000e+00 : f32
      %broadcast_in_dim3A_305 = vector.broadcast %broadcast_in_dim3A_304 : f32 to vector<16xf32>
      %broadcast_in_dim3A_306 = arith.constant 0.000000e+00 : f32
      %broadcast_in_dim3A_307 = vector.broadcast %broadcast_in_dim3A_306 : f32 to vector<16xf32>
      %broadcast_in_dim3A_308 = arith.constant 0 : i32
      %broadcast_in_dim3A_309 = vector.broadcast %broadcast_in_dim3A_308 : i32 to vector<16xi32>
      %gather3A = tpu.vector_load_idx %arg12[%add3A_302, %broadcast_in_dim3A_309] : memref<512x32xf32, #tpu.memory_space<vmem>>[vector<16xi32>, vector<16xi32>], vector<16xf32>,
      %gather3A_310 = tpu.vector_load_idx %arg13[%add3A_302, %broadcast_in_dim3A_309] : memref<512x32xf32, #tpu.memory_space<vmem>>[vector<16xi32>, vector<16xi32>], vector<16xf32>,
      %mul3A_311 = arith.mulf %gather3A, %gather3A : vector<16xf32>
      %add3A_312 = arith.addf %broadcast_in_dim3A_303, %mul3A_311 : vector<16xf32>
      %mul3A_313 = arith.mulf %gather3A_310, %gather3A_310 : vector<16xf32>
      %add3A_314 = arith.addf %broadcast_in_dim3A_305, %mul3A_313 : vector<16xf32>
      %sub3A = arith.subf %gather3A, %gather3A_310 : vector<16xf32>
      %mul3A_315 = arith.mulf %sub3A, %sub3A : vector<16xf32>
      %add3A_316 = arith.addf %broadcast_in_dim3A_307, %mul3A_315 : vector<16xf32>
      %broadcast_in_dim3A_317 = arith.constant 1 : i32
      %broadcast_in_dim3A_318 = vector.broadcast %broadcast_in_dim3A_317 : i32 to vector<16xi32>
      %gather3A_319 = tpu.vector_load_idx %arg12[%add3A_302, %broadcast_in_dim3A_318] : memref<512x32xf32, #tpu.memory_space<vmem>>[vector<16xi32>, vector<16xi32>], vector<16xf32>,
      %gather3A_320 = tpu.vector_load_idx %arg13[%add3A_302, %broadcast_in_dim3A_318] : memref<512x32xf32, #tpu.memory_space<vmem>>[vector<16xi32>, vector<16xi32>], vector<16xf32>,
      %mul3A_321 = arith.mulf %gather3A_319, %gather3A_319 : vector<16xf32>
      %add3A_322 = arith.addf %add3A_312, %mul3A_321 : vector<16xf32>
      %mul3A_323 = arith.mulf %gather3A_320, %gather3A_320 : vector<16xf32>
      %add3A_324 = arith.addf %add3A_314, %mul3A_323 : vector<16xf32>
      %sub3A_325 = arith.subf %gather3A_319, %gather3A_320 : vector<16xf32>
      %mul3A_326 = arith.mulf %sub3A_325, %sub3A_325 : vector<16xf32>
      %add3A_327 = arith.addf %add3A_316, %mul3A_326 : vector<16xf32>
      %broadcast_in_dim3A_328 = arith.constant 2 : i32
      %broadcast_in_dim3A_329 = vector.broadcast %broadcast_in_dim3A_328 : i32 to vector<16xi32>
      %gather3A_330 = tpu.vector_load_idx %arg12[%add3A_302, %broadcast_in_dim3A_329] : memref<512x32xf32, #tpu.memory_space<vmem>>[vector<16xi32>, vector<16xi32>], vector<16xf32>,
      %gather3A_331 = tpu.vector_load_idx %arg13[%add3A_302, %broadcast_in_dim3A_329] : memref<512x32xf32, #tpu.memory_space<vmem>>[vector<16xi32>, vector<16xi32>], vector<16xf32>,
      %mul3A_332 = arith.mulf %gather3A_330, %gather3A_330 : vector<16xf32>
      %add3A_333 = arith.addf %add3A_322, %mul3A_332 : vector<16xf32>
      %mul3A_334 = arith.mulf %gather3A_331, %gather3A_331 : vector<16xf32>
      %add3A_335 = arith.addf %add3A_324, %mul3A_334 : vector<16xf32>
      %sub3A_336 = arith.subf %gather3A_330, %gather3A_331 : vector<16xf32>
      %mul3A_337 = arith.mulf %sub3A_336, %sub3A_336 : vector<16xf32>
      %add3A_338 = arith.addf %add3A_327, %mul3A_337 : vector<16xf32>
      %broadcast_in_dim3A_339 = arith.constant 3 : i32
      %broadcast_in_dim3A_340 = vector.broadcast %broadcast_in_dim3A_339 : i32 to vector<16xi32>
      %gather3A_341 = tpu.vector_load_idx %arg12[%add3A_302, %broadcast_in_dim3A_340] : memref<512x32xf32, #tpu.memory_space<vmem>>[vector<16xi32>, vector<16xi32>], vector<16xf32>,
      %gather3A_342 = tpu.vector_load_idx %arg13[%add3A_302, %broadcast_in_dim3A_340] : memref<512x32xf32, #tpu.memory_space<vmem>>[vector<16xi32>, vector<16xi32>], vector<16xf32>,
      %mul3A_343 = arith.mulf %gather3A_341, %gather3A_341 : vector<16xf32>
      %add3A_344 = arith.addf %add3A_333, %mul3A_343 : vector<16xf32>
      %mul3A_345 = arith.mulf %gather3A_342, %gather3A_342 : vector<16xf32>
      %add3A_346 = arith.addf %add3A_335, %mul3A_345 : vector<16xf32>
      %sub3A_347 = arith.subf %gather3A_341, %gather3A_342 : vector<16xf32>
      %mul3A_348 = arith.mulf %sub3A_347, %sub3A_347 : vector<16xf32>
      %add3A_349 = arith.addf %add3A_338, %mul3A_348 : vector<16xf32>
      %broadcast_in_dim3A_350 = arith.constant 4 : i32
      %broadcast_in_dim3A_351 = vector.broadcast %broadcast_in_dim3A_350 : i32 to vector<16xi32>
      %gather3A_352 = tpu.vector_load_idx %arg12[%add3A_302, %broadcast_in_dim3A_351] : memref<512x32xf32, #tpu.memory_space<vmem>>[vector<16xi32>, vector<16xi32>], vector<16xf32>,
      %gather3A_353 = tpu.vector_load_idx %arg13[%add3A_302, %broadcast_in_dim3A_351] : memref<512x32xf32, #tpu.memory_space<vmem>>[vector<16xi32>, vector<16xi32>], vector<16xf32>,
      %mul3A_354 = arith.mulf %gather3A_352, %gather3A_352 : vector<16xf32>
      %add3A_355 = arith.addf %add3A_344, %mul3A_354 : vector<16xf32>
      %mul3A_356 = arith.mulf %gather3A_353, %gather3A_353 : vector<16xf32>
      %add3A_357 = arith.addf %add3A_346, %mul3A_356 : vector<16xf32>
      %sub3A_358 = arith.subf %gather3A_352, %gather3A_353 : vector<16xf32>
      %mul3A_359 = arith.mulf %sub3A_358, %sub3A_358 : vector<16xf32>
      %add3A_360 = arith.addf %add3A_349, %mul3A_359 : vector<16xf32>
      %broadcast_in_dim3A_361 = arith.constant 5 : i32
      %broadcast_in_dim3A_362 = vector.broadcast %broadcast_in_dim3A_361 : i32 to vector<16xi32>
      %gather3A_363 = tpu.vector_load_idx %arg12[%add3A_302, %broadcast_in_dim3A_362] : memref<512x32xf32, #tpu.memory_space<vmem>>[vector<16xi32>, vector<16xi32>], vector<16xf32>,
      %gather3A_364 = tpu.vector_load_idx %arg13[%add3A_302, %broadcast_in_dim3A_362] : memref<512x32xf32, #tpu.memory_space<vmem>>[vector<16xi32>, vector<16xi32>], vector<16xf32>,
      %mul3A_365 = arith.mulf %gather3A_363, %gather3A_363 : vector<16xf32>
      %add3A_366 = arith.addf %add3A_355, %mul3A_365 : vector<16xf32>
      %mul3A_367 = arith.mulf %gather3A_364, %gather3A_364 : vector<16xf32>
      %add3A_368 = arith.addf %add3A_357, %mul3A_367 : vector<16xf32>
      %sub3A_369 = arith.subf %gather3A_363, %gather3A_364 : vector<16xf32>
      %mul3A_370 = arith.mulf %sub3A_369, %sub3A_369 : vector<16xf32>
      %add3A_371 = arith.addf %add3A_360, %mul3A_370 : vector<16xf32>
      %broadcast_in_dim3A_372 = arith.constant 6 : i32
      %broadcast_in_dim3A_373 = vector.broadcast %broadcast_in_dim3A_372 : i32 to vector<16xi32>
      %gather3A_374 = tpu.vector_load_idx %arg12[%add3A_302, %broadcast_in_dim3A_373] : memref<512x32xf32, #tpu.memory_space<vmem>>[vector<16xi32>, vector<16xi32>], vector<16xf32>,
      %gather3A_375 = tpu.vector_load_idx %arg13[%add3A_302, %broadcast_in_dim3A_373] : memref<512x32xf32, #tpu.memory_space<vmem>>[vector<16xi32>, vector<16xi32>], vector<16xf32>,
      %mul3A_376 = arith.mulf %gather3A_374, %gather3A_374 : vector<16xf32>
      %add3A_377 = arith.addf %add3A_366, %mul3A_376 : vector<16xf32>
      %mul3A_378 = arith.mulf %gather3A_375, %gather3A_375 : vector<16xf32>
      %add3A_379 = arith.addf %add3A_368, %mul3A_378 : vector<16xf32>
      %sub3A_380 = arith.subf %gather3A_374, %gather3A_375 : vector<16xf32>
      %mul3A_381 = arith.mulf %sub3A_380, %sub3A_380 : vector<16xf32>
      %add3A_382 = arith.addf %add3A_371, %mul3A_381 : vector<16xf32>
      %broadcast_in_dim3A_383 = arith.constant 7 : i32
      %broadcast_in_dim3A_384 = vector.broadcast %broadcast_in_dim3A_383 : i32 to vector<16xi32>
      %gather3A_385 = tpu.vector_load_idx %arg12[%add3A_302, %broadcast_in_dim3A_384] : memref<512x32xf32, #tpu.memory_space<vmem>>[vector<16xi32>, vector<16xi32>], vector<16xf32>,
      %gather3A_386 = tpu.vector_load_idx %arg13[%add3A_302, %broadcast_in_dim3A_384] : memref<512x32xf32, #tpu.memory_space<vmem>>[vector<16xi32>, vector<16xi32>], vector<16xf32>,
      %mul3A_387 = arith.mulf %gather3A_385, %gather3A_385 : vector<16xf32>
      %add3A_388 = arith.addf %add3A_377, %mul3A_387 : vector<16xf32>
      %mul3A_389 = arith.mulf %gather3A_386, %gather3A_386 : vector<16xf32>
      %add3A_390 = arith.addf %add3A_379, %mul3A_389 : vector<16xf32>
      %sub3A_391 = arith.subf %gather3A_385, %gather3A_386 : vector<16xf32>
      %mul3A_392 = arith.mulf %sub3A_391, %sub3A_391 : vector<16xf32>
      %add3A_393 = arith.addf %add3A_382, %mul3A_392 : vector<16xf32>
      %broadcast_in_dim3A_394 = arith.constant 8 : i32
      %broadcast_in_dim3A_395 = vector.broadcast %broadcast_in_dim3A_394 : i32 to vector<16xi32>
      %gather3A_396 = tpu.vector_load_idx %arg12[%add3A_302, %broadcast_in_dim3A_395] : memref<512x32xf32, #tpu.memory_space<vmem>>[vector<16xi32>, vector<16xi32>], vector<16xf32>,
      %gather3A_397 = tpu.vector_load_idx %arg13[%add3A_302, %broadcast_in_dim3A_395] : memref<512x32xf32, #tpu.memory_space<vmem>>[vector<16xi32>, vector<16xi32>], vector<16xf32>,
      %mul3A_398 = arith.mulf %gather3A_396, %gather3A_396 : vector<16xf32>
      %add3A_399 = arith.addf %add3A_388, %mul3A_398 : vector<16xf32>
      %mul3A_400 = arith.mulf %gather3A_397, %gather3A_397 : vector<16xf32>
      %add3A_401 = arith.addf %add3A_390, %mul3A_400 : vector<16xf32>
      %sub3A_402 = arith.subf %gather3A_396, %gather3A_397 : vector<16xf32>
      %mul3A_403 = arith.mulf %sub3A_402, %sub3A_402 : vector<16xf32>
      %add3A_404 = arith.addf %add3A_393, %mul3A_403 : vector<16xf32>
      %broadcast_in_dim3A_405 = arith.constant 9 : i32
      %broadcast_in_dim3A_406 = vector.broadcast %broadcast_in_dim3A_405 : i32 to vector<16xi32>
      %gather3A_407 = tpu.vector_load_idx %arg12[%add3A_302, %broadcast_in_dim3A_406] : memref<512x32xf32, #tpu.memory_space<vmem>>[vector<16xi32>, vector<16xi32>], vector<16xf32>,
      %gather3A_408 = tpu.vector_load_idx %arg13[%add3A_302, %broadcast_in_dim3A_406] : memref<512x32xf32, #tpu.memory_space<vmem>>[vector<16xi32>, vector<16xi32>], vector<16xf32>,
      %mul3A_409 = arith.mulf %gather3A_407, %gather3A_407 : vector<16xf32>
      %add3A_410 = arith.addf %add3A_399, %mul3A_409 : vector<16xf32>
      %mul3A_411 = arith.mulf %gather3A_408, %gather3A_408 : vector<16xf32>
      %add3A_412 = arith.addf %add3A_401, %mul3A_411 : vector<16xf32>
      %sub3A_413 = arith.subf %gather3A_407, %gather3A_408 : vector<16xf32>
      %mul3A_414 = arith.mulf %sub3A_413, %sub3A_413 : vector<16xf32>
      %add3A_415 = arith.addf %add3A_404, %mul3A_414 : vector<16xf32>
      %broadcast_in_dim3A_416 = arith.constant 10 : i32
      %broadcast_in_dim3A_417 = vector.broadcast %broadcast_in_dim3A_416 : i32 to vector<16xi32>
      %gather3A_418 = tpu.vector_load_idx %arg12[%add3A_302, %broadcast_in_dim3A_417] : memref<512x32xf32, #tpu.memory_space<vmem>>[vector<16xi32>, vector<16xi32>], vector<16xf32>,
      %gather3A_419 = tpu.vector_load_idx %arg13[%add3A_302, %broadcast_in_dim3A_417] : memref<512x32xf32, #tpu.memory_space<vmem>>[vector<16xi32>, vector<16xi32>], vector<16xf32>,
      %mul3A_420 = arith.mulf %gather3A_418, %gather3A_418 : vector<16xf32>
      %add3A_421 = arith.addf %add3A_410, %mul3A_420 : vector<16xf32>
      %mul3A_422 = arith.mulf %gather3A_419, %gather3A_419 : vector<16xf32>
      %add3A_423 = arith.addf %add3A_412, %mul3A_422 : vector<16xf32>
      %sub3A_424 = arith.subf %gather3A_418, %gather3A_419 : vector<16xf32>
      %mul3A_425 = arith.mulf %sub3A_424, %sub3A_424 : vector<16xf32>
      %add3A_426 = arith.addf %add3A_415, %mul3A_425 : vector<16xf32>
      %broadcast_in_dim3A_427 = arith.constant 11 : i32
      %broadcast_in_dim3A_428 = vector.broadcast %broadcast_in_dim3A_427 : i32 to vector<16xi32>
      %gather3A_429 = tpu.vector_load_idx %arg12[%add3A_302, %broadcast_in_dim3A_428] : memref<512x32xf32, #tpu.memory_space<vmem>>[vector<16xi32>, vector<16xi32>], vector<16xf32>,
      %gather3A_430 = tpu.vector_load_idx %arg13[%add3A_302, %broadcast_in_dim3A_428] : memref<512x32xf32, #tpu.memory_space<vmem>>[vector<16xi32>, vector<16xi32>], vector<16xf32>,
      %mul3A_431 = arith.mulf %gather3A_429, %gather3A_429 : vector<16xf32>
      %add3A_432 = arith.addf %add3A_421, %mul3A_431 : vector<16xf32>
      %mul3A_433 = arith.mulf %gather3A_430, %gather3A_430 : vector<16xf32>
      %add3A_434 = arith.addf %add3A_423, %mul3A_433 : vector<16xf32>
      %sub3A_435 = arith.subf %gather3A_429, %gather3A_430 : vector<16xf32>
      %mul3A_436 = arith.mulf %sub3A_435, %sub3A_435 : vector<16xf32>
      %add3A_437 = arith.addf %add3A_426, %mul3A_436 : vector<16xf32>
      %broadcast_in_dim3A_438 = arith.constant 12 : i32
      %broadcast_in_dim3A_439 = vector.broadcast %broadcast_in_dim3A_438 : i32 to vector<16xi32>
      %gather3A_440 = tpu.vector_load_idx %arg12[%add3A_302, %broadcast_in_dim3A_439] : memref<512x32xf32, #tpu.memory_space<vmem>>[vector<16xi32>, vector<16xi32>], vector<16xf32>,
      %gather3A_441 = tpu.vector_load_idx %arg13[%add3A_302, %broadcast_in_dim3A_439] : memref<512x32xf32, #tpu.memory_space<vmem>>[vector<16xi32>, vector<16xi32>], vector<16xf32>,
      %mul3A_442 = arith.mulf %gather3A_440, %gather3A_440 : vector<16xf32>
      %add3A_443 = arith.addf %add3A_432, %mul3A_442 : vector<16xf32>
      %mul3A_444 = arith.mulf %gather3A_441, %gather3A_441 : vector<16xf32>
      %add3A_445 = arith.addf %add3A_434, %mul3A_444 : vector<16xf32>
      %sub3A_446 = arith.subf %gather3A_440, %gather3A_441 : vector<16xf32>
      %mul3A_447 = arith.mulf %sub3A_446, %sub3A_446 : vector<16xf32>
      %add3A_448 = arith.addf %add3A_437, %mul3A_447 : vector<16xf32>
      %broadcast_in_dim3A_449 = arith.constant 13 : i32
      %broadcast_in_dim3A_450 = vector.broadcast %broadcast_in_dim3A_449 : i32 to vector<16xi32>
      %gather3A_451 = tpu.vector_load_idx %arg12[%add3A_302, %broadcast_in_dim3A_450] : memref<512x32xf32, #tpu.memory_space<vmem>>[vector<16xi32>, vector<16xi32>], vector<16xf32>,
      %gather3A_452 = tpu.vector_load_idx %arg13[%add3A_302, %broadcast_in_dim3A_450] : memref<512x32xf32, #tpu.memory_space<vmem>>[vector<16xi32>, vector<16xi32>], vector<16xf32>,
      %mul3A_453 = arith.mulf %gather3A_451, %gather3A_451 : vector<16xf32>
      %add3A_454 = arith.addf %add3A_443, %mul3A_453 : vector<16xf32>
      %mul3A_455 = arith.mulf %gather3A_452, %gather3A_452 : vector<16xf32>
      %add3A_456 = arith.addf %add3A_445, %mul3A_455 : vector<16xf32>
      %sub3A_457 = arith.subf %gather3A_451, %gather3A_452 : vector<16xf32>
      %mul3A_458 = arith.mulf %sub3A_457, %sub3A_457 : vector<16xf32>
      %add3A_459 = arith.addf %add3A_448, %mul3A_458 : vector<16xf32>
      %broadcast_in_dim3A_460 = arith.constant 14 : i32
      %broadcast_in_dim3A_461 = vector.broadcast %broadcast_in_dim3A_460 : i32 to vector<16xi32>
      %gather3A_462 = tpu.vector_load_idx %arg12[%add3A_302, %broadcast_in_dim3A_461] : memref<512x32xf32, #tpu.memory_space<vmem>>[vector<16xi32>, vector<16xi32>], vector<16xf32>,
      %gather3A_463 = tpu.vector_load_idx %arg13[%add3A_302, %broadcast_in_dim3A_461] : memref<512x32xf32, #tpu.memory_space<vmem>>[vector<16xi32>, vector<16xi32>], vector<16xf32>,
      %mul3A_464 = arith.mulf %gather3A_462, %gather3A_462 : vector<16xf32>
      %add3A_465 = arith.addf %add3A_454, %mul3A_464 : vector<16xf32>
      %mul3A_466 = arith.mulf %gather3A_463, %gather3A_463 : vector<16xf32>
      %add3A_467 = arith.addf %add3A_456, %mul3A_466 : vector<16xf32>
      %sub3A_468 = arith.subf %gather3A_462, %gather3A_463 : vector<16xf32>
      %mul3A_469 = arith.mulf %sub3A_468, %sub3A_468 : vector<16xf32>
      %add3A_470 = arith.addf %add3A_459, %mul3A_469 : vector<16xf32>
      %broadcast_in_dim3A_471 = arith.constant 15 : i32
      %broadcast_in_dim3A_472 = vector.broadcast %broadcast_in_dim3A_471 : i32 to vector<16xi32>
      %gather3A_473 = tpu.vector_load_idx %arg12[%add3A_302, %broadcast_in_dim3A_472] : memref<512x32xf32, #tpu.memory_space<vmem>>[vector<16xi32>, vector<16xi32>], vector<16xf32>,
      %gather3A_474 = tpu.vector_load_idx %arg13[%add3A_302, %broadcast_in_dim3A_472] : memref<512x32xf32, #tpu.memory_space<vmem>>[vector<16xi32>, vector<16xi32>], vector<16xf32>,
      %mul3A_475 = arith.mulf %gather3A_473, %gather3A_473 : vector<16xf32>
      %add3A_476 = arith.addf %add3A_465, %mul3A_475 : vector<16xf32>
      %mul3A_477 = arith.mulf %gather3A_474, %gather3A_474 : vector<16xf32>
      %add3A_478 = arith.addf %add3A_467, %mul3A_477 : vector<16xf32>
      %sub3A_479 = arith.subf %gather3A_473, %gather3A_474 : vector<16xf32>
      %mul3A_480 = arith.mulf %sub3A_479, %sub3A_479 : vector<16xf32>
      %add3A_481 = arith.addf %add3A_470, %mul3A_480 : vector<16xf32>
      %broadcast_in_dim3A_482 = arith.constant 16 : i32
      %broadcast_in_dim3A_483 = vector.broadcast %broadcast_in_dim3A_482 : i32 to vector<16xi32>
      %gather3A_484 = tpu.vector_load_idx %arg12[%add3A_302, %broadcast_in_dim3A_483] : memref<512x32xf32, #tpu.memory_space<vmem>>[vector<16xi32>, vector<16xi32>], vector<16xf32>,
      %gather3A_485 = tpu.vector_load_idx %arg13[%add3A_302, %broadcast_in_dim3A_483] : memref<512x32xf32, #tpu.memory_space<vmem>>[vector<16xi32>, vector<16xi32>], vector<16xf32>,
      %mul3A_486 = arith.mulf %gather3A_484, %gather3A_484 : vector<16xf32>
      %add3A_487 = arith.addf %add3A_476, %mul3A_486 : vector<16xf32>
      %mul3A_488 = arith.mulf %gather3A_485, %gather3A_485 : vector<16xf32>
      %add3A_489 = arith.addf %add3A_478, %mul3A_488 : vector<16xf32>
      %sub3A_490 = arith.subf %gather3A_484, %gather3A_485 : vector<16xf32>
      %mul3A_491 = arith.mulf %sub3A_490, %sub3A_490 : vector<16xf32>
      %add3A_492 = arith.addf %add3A_481, %mul3A_491 : vector<16xf32>
      %broadcast_in_dim3A_493 = arith.constant 17 : i32
      %broadcast_in_dim3A_494 = vector.broadcast %broadcast_in_dim3A_493 : i32 to vector<16xi32>
      %gather3A_495 = tpu.vector_load_idx %arg12[%add3A_302, %broadcast_in_dim3A_494] : memref<512x32xf32, #tpu.memory_space<vmem>>[vector<16xi32>, vector<16xi32>], vector<16xf32>,
      %gather3A_496 = tpu.vector_load_idx %arg13[%add3A_302, %broadcast_in_dim3A_494] : memref<512x32xf32, #tpu.memory_space<vmem>>[vector<16xi32>, vector<16xi32>], vector<16xf32>,
      %mul3A_497 = arith.mulf %gather3A_495, %gather3A_495 : vector<16xf32>
      %add3A_498 = arith.addf %add3A_487, %mul3A_497 : vector<16xf32>
      %mul3A_499 = arith.mulf %gather3A_496, %gather3A_496 : vector<16xf32>
      %add3A_500 = arith.addf %add3A_489, %mul3A_499 : vector<16xf32>
      %sub3A_501 = arith.subf %gather3A_495, %gather3A_496 : vector<16xf32>
      %mul3A_502 = arith.mulf %sub3A_501, %sub3A_501 : vector<16xf32>
      %add3A_503 = arith.addf %add3A_492, %mul3A_502 : vector<16xf32>
      %broadcast_in_dim3A_504 = arith.constant 18 : i32
      %broadcast_in_dim3A_505 = vector.broadcast %broadcast_in_dim3A_504 : i32 to vector<16xi32>
      %gather3A_506 = tpu.vector_load_idx %arg12[%add3A_302, %broadcast_in_dim3A_505] : memref<512x32xf32, #tpu.memory_space<vmem>>[vector<16xi32>, vector<16xi32>], vector<16xf32>,
      %gather3A_507 = tpu.vector_load_idx %arg13[%add3A_302, %broadcast_in_dim3A_505] : memref<512x32xf32, #tpu.memory_space<vmem>>[vector<16xi32>, vector<16xi32>], vector<16xf32>,
      %mul3A_508 = arith.mulf %gather3A_506, %gather3A_506 : vector<16xf32>
      %add3A_509 = arith.addf %add3A_498, %mul3A_508 : vector<16xf32>
      %mul3A_510 = arith.mulf %gather3A_507, %gather3A_507 : vector<16xf32>
      %add3A_511 = arith.addf %add3A_500, %mul3A_510 : vector<16xf32>
      %sub3A_512 = arith.subf %gather3A_506, %gather3A_507 : vector<16xf32>
      %mul3A_513 = arith.mulf %sub3A_512, %sub3A_512 : vector<16xf32>
      %add3A_514 = arith.addf %add3A_503, %mul3A_513 : vector<16xf32>
      %broadcast_in_dim3A_515 = arith.constant 19 : i32
      %broadcast_in_dim3A_516 = vector.broadcast %broadcast_in_dim3A_515 : i32 to vector<16xi32>
      %gather3A_517 = tpu.vector_load_idx %arg12[%add3A_302, %broadcast_in_dim3A_516] : memref<512x32xf32, #tpu.memory_space<vmem>>[vector<16xi32>, vector<16xi32>], vector<16xf32>,
      %gather3A_518 = tpu.vector_load_idx %arg13[%add3A_302, %broadcast_in_dim3A_516] : memref<512x32xf32, #tpu.memory_space<vmem>>[vector<16xi32>, vector<16xi32>], vector<16xf32>,
      %mul3A_519 = arith.mulf %gather3A_517, %gather3A_517 : vector<16xf32>
      %add3A_520 = arith.addf %add3A_509, %mul3A_519 : vector<16xf32>
      %mul3A_521 = arith.mulf %gather3A_518, %gather3A_518 : vector<16xf32>
      %add3A_522 = arith.addf %add3A_511, %mul3A_521 : vector<16xf32>
      %sub3A_523 = arith.subf %gather3A_517, %gather3A_518 : vector<16xf32>
      %mul3A_524 = arith.mulf %sub3A_523, %sub3A_523 : vector<16xf32>
      %add3A_525 = arith.addf %add3A_514, %mul3A_524 : vector<16xf32>
      %broadcast_in_dim3A_526 = arith.constant 20 : i32
      %broadcast_in_dim3A_527 = vector.broadcast %broadcast_in_dim3A_526 : i32 to vector<16xi32>
      %gather3A_528 = tpu.vector_load_idx %arg12[%add3A_302, %broadcast_in_dim3A_527] : memref<512x32xf32, #tpu.memory_space<vmem>>[vector<16xi32>, vector<16xi32>], vector<16xf32>,
      %gather3A_529 = tpu.vector_load_idx %arg13[%add3A_302, %broadcast_in_dim3A_527] : memref<512x32xf32, #tpu.memory_space<vmem>>[vector<16xi32>, vector<16xi32>], vector<16xf32>,
      %mul3A_530 = arith.mulf %gather3A_528, %gather3A_528 : vector<16xf32>
      %add3A_531 = arith.addf %add3A_520, %mul3A_530 : vector<16xf32>
      %mul3A_532 = arith.mulf %gather3A_529, %gather3A_529 : vector<16xf32>
      %add3A_533 = arith.addf %add3A_522, %mul3A_532 : vector<16xf32>
      %sub3A_534 = arith.subf %gather3A_528, %gather3A_529 : vector<16xf32>
      %mul3A_535 = arith.mulf %sub3A_534, %sub3A_534 : vector<16xf32>
      %add3A_536 = arith.addf %add3A_525, %mul3A_535 : vector<16xf32>
      %broadcast_in_dim3A_537 = arith.constant 21 : i32
      %broadcast_in_dim3A_538 = vector.broadcast %broadcast_in_dim3A_537 : i32 to vector<16xi32>
      %gather3A_539 = tpu.vector_load_idx %arg12[%add3A_302, %broadcast_in_dim3A_538] : memref<512x32xf32, #tpu.memory_space<vmem>>[vector<16xi32>, vector<16xi32>], vector<16xf32>,
      %gather3A_540 = tpu.vector_load_idx %arg13[%add3A_302, %broadcast_in_dim3A_538] : memref<512x32xf32, #tpu.memory_space<vmem>>[vector<16xi32>, vector<16xi32>], vector<16xf32>,
      %mul3A_541 = arith.mulf %gather3A_539, %gather3A_539 : vector<16xf32>
      %add3A_542 = arith.addf %add3A_531, %mul3A_541 : vector<16xf32>
      %mul3A_543 = arith.mulf %gather3A_540, %gather3A_540 : vector<16xf32>
      %add3A_544 = arith.addf %add3A_533, %mul3A_543 : vector<16xf32>
      %sub3A_545 = arith.subf %gather3A_539, %gather3A_540 : vector<16xf32>
      %mul3A_546 = arith.mulf %sub3A_545, %sub3A_545 : vector<16xf32>
      %add3A_547 = arith.addf %add3A_536, %mul3A_546 : vector<16xf32>
      %broadcast_in_dim3A_548 = arith.constant 22 : i32
      %broadcast_in_dim3A_549 = vector.broadcast %broadcast_in_dim3A_548 : i32 to vector<16xi32>
      %gather3A_550 = tpu.vector_load_idx %arg12[%add3A_302, %broadcast_in_dim3A_549] : memref<512x32xf32, #tpu.memory_space<vmem>>[vector<16xi32>, vector<16xi32>], vector<16xf32>,
      %gather3A_551 = tpu.vector_load_idx %arg13[%add3A_302, %broadcast_in_dim3A_549] : memref<512x32xf32, #tpu.memory_space<vmem>>[vector<16xi32>, vector<16xi32>], vector<16xf32>,
      %mul3A_552 = arith.mulf %gather3A_550, %gather3A_550 : vector<16xf32>
      %add3A_553 = arith.addf %add3A_542, %mul3A_552 : vector<16xf32>
      %mul3A_554 = arith.mulf %gather3A_551, %gather3A_551 : vector<16xf32>
      %add3A_555 = arith.addf %add3A_544, %mul3A_554 : vector<16xf32>
      %sub3A_556 = arith.subf %gather3A_550, %gather3A_551 : vector<16xf32>
      %mul3A_557 = arith.mulf %sub3A_556, %sub3A_556 : vector<16xf32>
      %add3A_558 = arith.addf %add3A_547, %mul3A_557 : vector<16xf32>
      %broadcast_in_dim3A_559 = arith.constant 23 : i32
      %broadcast_in_dim3A_560 = vector.broadcast %broadcast_in_dim3A_559 : i32 to vector<16xi32>
      %gather3A_561 = tpu.vector_load_idx %arg12[%add3A_302, %broadcast_in_dim3A_560] : memref<512x32xf32, #tpu.memory_space<vmem>>[vector<16xi32>, vector<16xi32>], vector<16xf32>,
      %gather3A_562 = tpu.vector_load_idx %arg13[%add3A_302, %broadcast_in_dim3A_560] : memref<512x32xf32, #tpu.memory_space<vmem>>[vector<16xi32>, vector<16xi32>], vector<16xf32>,
      %mul3A_563 = arith.mulf %gather3A_561, %gather3A_561 : vector<16xf32>
      %add3A_564 = arith.addf %add3A_553, %mul3A_563 : vector<16xf32>
      %mul3A_565 = arith.mulf %gather3A_562, %gather3A_562 : vector<16xf32>
      %add3A_566 = arith.addf %add3A_555, %mul3A_565 : vector<16xf32>
      %sub3A_567 = arith.subf %gather3A_561, %gather3A_562 : vector<16xf32>
      %mul3A_568 = arith.mulf %sub3A_567, %sub3A_567 : vector<16xf32>
      %add3A_569 = arith.addf %add3A_558, %mul3A_568 : vector<16xf32>
      %broadcast_in_dim3A_570 = arith.constant 24 : i32
      %broadcast_in_dim3A_571 = vector.broadcast %broadcast_in_dim3A_570 : i32 to vector<16xi32>
      %gather3A_572 = tpu.vector_load_idx %arg12[%add3A_302, %broadcast_in_dim3A_571] : memref<512x32xf32, #tpu.memory_space<vmem>>[vector<16xi32>, vector<16xi32>], vector<16xf32>,
      %gather3A_573 = tpu.vector_load_idx %arg13[%add3A_302, %broadcast_in_dim3A_571] : memref<512x32xf32, #tpu.memory_space<vmem>>[vector<16xi32>, vector<16xi32>], vector<16xf32>,
      %mul3A_574 = arith.mulf %gather3A_572, %gather3A_572 : vector<16xf32>
      %add3A_575 = arith.addf %add3A_564, %mul3A_574 : vector<16xf32>
      %mul3A_576 = arith.mulf %gather3A_573, %gather3A_573 : vector<16xf32>
      %add3A_577 = arith.addf %add3A_566, %mul3A_576 : vector<16xf32>
      %sub3A_578 = arith.subf %gather3A_572, %gather3A_573 : vector<16xf32>
      %mul3A_579 = arith.mulf %sub3A_578, %sub3A_578 : vector<16xf32>
      %add3A_580 = arith.addf %add3A_569, %mul3A_579 : vector<16xf32>
      %broadcast_in_dim3A_581 = arith.constant 25 : i32
      %broadcast_in_dim3A_582 = vector.broadcast %broadcast_in_dim3A_581 : i32 to vector<16xi32>
      %gather3A_583 = tpu.vector_load_idx %arg12[%add3A_302, %broadcast_in_dim3A_582] : memref<512x32xf32, #tpu.memory_space<vmem>>[vector<16xi32>, vector<16xi32>], vector<16xf32>,
      %gather3A_584 = tpu.vector_load_idx %arg13[%add3A_302, %broadcast_in_dim3A_582] : memref<512x32xf32, #tpu.memory_space<vmem>>[vector<16xi32>, vector<16xi32>], vector<16xf32>,
      %mul3A_585 = arith.mulf %gather3A_583, %gather3A_583 : vector<16xf32>
      %add3A_586 = arith.addf %add3A_575, %mul3A_585 : vector<16xf32>
      %mul3A_587 = arith.mulf %gather3A_584, %gather3A_584 : vector<16xf32>
      %add3A_588 = arith.addf %add3A_577, %mul3A_587 : vector<16xf32>
      %sub3A_589 = arith.subf %gather3A_583, %gather3A_584 : vector<16xf32>
      %mul3A_590 = arith.mulf %sub3A_589, %sub3A_589 : vector<16xf32>
      %add3A_591 = arith.addf %add3A_580, %mul3A_590 : vector<16xf32>
      %broadcast_in_dim3A_592 = arith.constant 26 : i32
      %broadcast_in_dim3A_593 = vector.broadcast %broadcast_in_dim3A_592 : i32 to vector<16xi32>
      %gather3A_594 = tpu.vector_load_idx %arg12[%add3A_302, %broadcast_in_dim3A_593] : memref<512x32xf32, #tpu.memory_space<vmem>>[vector<16xi32>, vector<16xi32>], vector<16xf32>,
      %gather3A_595 = tpu.vector_load_idx %arg13[%add3A_302, %broadcast_in_dim3A_593] : memref<512x32xf32, #tpu.memory_space<vmem>>[vector<16xi32>, vector<16xi32>], vector<16xf32>,
      %mul3A_596 = arith.mulf %gather3A_594, %gather3A_594 : vector<16xf32>
      %add3A_597 = arith.addf %add3A_586, %mul3A_596 : vector<16xf32>
      %mul3A_598 = arith.mulf %gather3A_595, %gather3A_595 : vector<16xf32>
      %add3A_599 = arith.addf %add3A_588, %mul3A_598 : vector<16xf32>
      %sub3A_600 = arith.subf %gather3A_594, %gather3A_595 : vector<16xf32>
      %mul3A_601 = arith.mulf %sub3A_600, %sub3A_600 : vector<16xf32>
      %add3A_602 = arith.addf %add3A_591, %mul3A_601 : vector<16xf32>
      %broadcast_in_dim3A_603 = arith.constant 27 : i32
      %broadcast_in_dim3A_604 = vector.broadcast %broadcast_in_dim3A_603 : i32 to vector<16xi32>
      %gather3A_605 = tpu.vector_load_idx %arg12[%add3A_302, %broadcast_in_dim3A_604] : memref<512x32xf32, #tpu.memory_space<vmem>>[vector<16xi32>, vector<16xi32>], vector<16xf32>,
      %gather3A_606 = tpu.vector_load_idx %arg13[%add3A_302, %broadcast_in_dim3A_604] : memref<512x32xf32, #tpu.memory_space<vmem>>[vector<16xi32>, vector<16xi32>], vector<16xf32>,
      %mul3A_607 = arith.mulf %gather3A_605, %gather3A_605 : vector<16xf32>
      %add3A_608 = arith.addf %add3A_597, %mul3A_607 : vector<16xf32>
      %mul3A_609 = arith.mulf %gather3A_606, %gather3A_606 : vector<16xf32>
      %add3A_610 = arith.addf %add3A_599, %mul3A_609 : vector<16xf32>
      %sub3A_611 = arith.subf %gather3A_605, %gather3A_606 : vector<16xf32>
      %mul3A_612 = arith.mulf %sub3A_611, %sub3A_611 : vector<16xf32>
      %add3A_613 = arith.addf %add3A_602, %mul3A_612 : vector<16xf32>
      %broadcast_in_dim3A_614 = arith.constant 28 : i32
      %broadcast_in_dim3A_615 = vector.broadcast %broadcast_in_dim3A_614 : i32 to vector<16xi32>
      %gather3A_616 = tpu.vector_load_idx %arg12[%add3A_302, %broadcast_in_dim3A_615] : memref<512x32xf32, #tpu.memory_space<vmem>>[vector<16xi32>, vector<16xi32>], vector<16xf32>,
      %gather3A_617 = tpu.vector_load_idx %arg13[%add3A_302, %broadcast_in_dim3A_615] : memref<512x32xf32, #tpu.memory_space<vmem>>[vector<16xi32>, vector<16xi32>], vector<16xf32>,
      %mul3A_618 = arith.mulf %gather3A_616, %gather3A_616 : vector<16xf32>
      %add3A_619 = arith.addf %add3A_608, %mul3A_618 : vector<16xf32>
      %mul3A_620 = arith.mulf %gather3A_617, %gather3A_617 : vector<16xf32>
      %add3A_621 = arith.addf %add3A_610, %mul3A_620 : vector<16xf32>
      %sub3A_622 = arith.subf %gather3A_616, %gather3A_617 : vector<16xf32>
      %mul3A_623 = arith.mulf %sub3A_622, %sub3A_622 : vector<16xf32>
      %add3A_624 = arith.addf %add3A_613, %mul3A_623 : vector<16xf32>
      %broadcast_in_dim3A_625 = arith.constant 29 : i32
      %broadcast_in_dim3A_626 = vector.broadcast %broadcast_in_dim3A_625 : i32 to vector<16xi32>
      %gather3A_627 = tpu.vector_load_idx %arg12[%add3A_302, %broadcast_in_dim3A_626] : memref<512x32xf32, #tpu.memory_space<vmem>>[vector<16xi32>, vector<16xi32>], vector<16xf32>,
      %gather3A_628 = tpu.vector_load_idx %arg13[%add3A_302, %broadcast_in_dim3A_626] : memref<512x32xf32, #tpu.memory_space<vmem>>[vector<16xi32>, vector<16xi32>], vector<16xf32>,
      %mul3A_629 = arith.mulf %gather3A_627, %gather3A_627 : vector<16xf32>
      %add3A_630 = arith.addf %add3A_619, %mul3A_629 : vector<16xf32>
      %mul3A_631 = arith.mulf %gather3A_628, %gather3A_628 : vector<16xf32>
      %add3A_632 = arith.addf %add3A_621, %mul3A_631 : vector<16xf32>
      %sub3A_633 = arith.subf %gather3A_627, %gather3A_628 : vector<16xf32>
      %mul3A_634 = arith.mulf %sub3A_633, %sub3A_633 : vector<16xf32>
      %add3A_635 = arith.addf %add3A_624, %mul3A_634 : vector<16xf32>
      %broadcast_in_dim3A_636 = arith.constant 30 : i32
      %broadcast_in_dim3A_637 = vector.broadcast %broadcast_in_dim3A_636 : i32 to vector<16xi32>
      %gather3A_638 = tpu.vector_load_idx %arg12[%add3A_302, %broadcast_in_dim3A_637] : memref<512x32xf32, #tpu.memory_space<vmem>>[vector<16xi32>, vector<16xi32>], vector<16xf32>,
      %gather3A_639 = tpu.vector_load_idx %arg13[%add3A_302, %broadcast_in_dim3A_637] : memref<512x32xf32, #tpu.memory_space<vmem>>[vector<16xi32>, vector<16xi32>], vector<16xf32>,
      %mul3A_640 = arith.mulf %gather3A_638, %gather3A_638 : vector<16xf32>
      %add3A_641 = arith.addf %add3A_630, %mul3A_640 : vector<16xf32>
      %mul3A_642 = arith.mulf %gather3A_639, %gather3A_639 : vector<16xf32>
      %add3A_643 = arith.addf %add3A_632, %mul3A_642 : vector<16xf32>
      %sub3A_644 = arith.subf %gather3A_638, %gather3A_639 : vector<16xf32>
      %mul3A_645 = arith.mulf %sub3A_644, %sub3A_644 : vector<16xf32>
      %add3A_646 = arith.addf %add3A_635, %mul3A_645 : vector<16xf32>
      %broadcast_in_dim3A_647 = arith.constant 31 : i32
      %broadcast_in_dim3A_648 = vector.broadcast %broadcast_in_dim3A_647 : i32 to vector<16xi32>
      %gather3A_649 = tpu.vector_load_idx %arg12[%add3A_302, %broadcast_in_dim3A_648] : memref<512x32xf32, #tpu.memory_space<vmem>>[vector<16xi32>, vector<16xi32>], vector<16xf32>,
      %gather3A_650 = tpu.vector_load_idx %arg13[%add3A_302, %broadcast_in_dim3A_648] : memref<512x32xf32, #tpu.memory_space<vmem>>[vector<16xi32>, vector<16xi32>], vector<16xf32>,
      %mul3A_651 = arith.mulf %gather3A_649, %gather3A_649 : vector<16xf32>
      %add3A_652 = arith.addf %add3A_641, %mul3A_651 : vector<16xf32>
      %mul3A_653 = arith.mulf %gather3A_650, %gather3A_650 : vector<16xf32>
      %add3A_654 = arith.addf %add3A_643, %mul3A_653 : vector<16xf32>
      %sub3A_655 = arith.subf %gather3A_649, %gather3A_650 : vector<16xf32>
      %mul3A_656 = arith.mulf %sub3A_655, %sub3A_655 : vector<16xf32>
      %add3A_657 = arith.addf %add3A_646, %mul3A_656 : vector<16xf32>
      %sub3A_658 = vector.broadcast %scan3A_292 : f32 to vector<16xf32>
      %sub3A_659 = arith.subf %sub3A_658, %add3A_652 : vector<16xf32>
      %sub3A_660 = vector.broadcast %scan3A_292 : f32 to vector<16xf32>
      %sub3A_661 = arith.subf %sub3A_660, %add3A_654 : vector<16xf32>
      %mul3A_662 = arith.mulf %sub3A_659, %sub3A_661 : vector<16xf32>
      %mul3A_663 = arith.constant 2.000000e+00 : f32
      %mul3A_664 = vector.broadcast %mul3A_663 : f32 to vector<16xf32>
      %mul3A_665 = arith.mulf %mul3A_664, %add3A_657 : vector<16xf32>
      %max3A = arith.constant 9.99999996E-13 : f32
      %max3A_666 = vector.broadcast %max3A : f32 to vector<16xf32>
      %max3A_667 = arith.maximumf %mul3A_662, %max3A_666 : vector<16xf32>
      %div3A = arith.divf %mul3A_665, %max3A_667 : vector<16xf32>
      %add3A_668 = vector.broadcast %scan3A_292 : f32 to vector<16xf32>
      %add3A_669 = arith.addf %add3A_668, %div3A : vector<16xf32>
      %max3A_670 = arith.constant 1.00000012 : f32
      %max3A_671 = vector.broadcast %max3A_670 : f32 to vector<16xf32>
      %max3A_672 = arith.maximumf %add3A_669, %max3A_671 : vector<16xf32>
      %mul3A_673 = arith.mulf %max3A_672, %max3A_672 : vector<16xf32>
      %sub3A_674 = vector.broadcast %scan3A_292 : f32 to vector<16xf32>
      %sub3A_675 = arith.subf %mul3A_673, %sub3A_674 : vector<16xf32>
      %bitcast3A = vector.bitcast %sub3A_675 : vector<16xf32> to vector<16xi32>
      %shift_right_arithmetic3A = arith.constant 1 : i32
      %shift_right_arithmetic3A_676 = vector.broadcast %shift_right_arithmetic3A : i32 to vector<16xi32>
      %shift_right_arithmetic3A_677 = arith.shrsi %bitcast3A, %shift_right_arithmetic3A_676 : vector<16xi32>
      %sub3A_678 = arith.constant 1597463007 : i32
      %sub3A_679 = vector.broadcast %sub3A_678 : i32 to vector<16xi32>
      %sub3A_680 = arith.subi %sub3A_679, %shift_right_arithmetic3A_677 : vector<16xi32>
      %bitcast3A_681 = vector.bitcast %sub3A_680 : vector<16xi32> to vector<16xf32>
      %mul3A_682 = arith.constant 5.000000e-01 : f32
      %mul3A_683 = vector.broadcast %mul3A_682 : f32 to vector<16xf32>
      %mul3A_684 = arith.mulf %mul3A_683, %sub3A_675 : vector<16xf32>
      %mul3A_685 = arith.mulf %mul3A_684, %bitcast3A_681 : vector<16xf32>
      %mul3A_686 = arith.mulf %mul3A_685, %bitcast3A_681 : vector<16xf32>
      %sub3A_687 = arith.constant 1.500000e+00 : f32
      %sub3A_688 = vector.broadcast %sub3A_687 : f32 to vector<16xf32>
      %sub3A_689 = arith.subf %sub3A_688, %mul3A_686 : vector<16xf32>
      %mul3A_690 = arith.mulf %bitcast3A_681, %sub3A_689 : vector<16xf32>
      %mul3A_691 = arith.mulf %mul3A_684, %mul3A_690 : vector<16xf32>
      %mul3A_692 = arith.mulf %mul3A_691, %mul3A_690 : vector<16xf32>
      %sub3A_693 = arith.constant 1.500000e+00 : f32
      %sub3A_694 = vector.broadcast %sub3A_693 : f32 to vector<16xf32>
      %sub3A_695 = arith.subf %sub3A_694, %mul3A_692 : vector<16xf32>
      %mul3A_696 = arith.mulf %mul3A_690, %sub3A_695 : vector<16xf32>
      %mul3A_697 = arith.mulf %mul3A_684, %mul3A_696 : vector<16xf32>
      %mul3A_698 = arith.mulf %mul3A_697, %mul3A_696 : vector<16xf32>
      %sub3A_699 = arith.constant 1.500000e+00 : f32
      %sub3A_700 = vector.broadcast %sub3A_699 : f32 to vector<16xf32>
      %sub3A_701 = arith.subf %sub3A_700, %mul3A_698 : vector<16xf32>
      %mul3A_702 = arith.mulf %mul3A_696, %sub3A_701 : vector<16xf32>
      %mul3A_703 = arith.mulf %sub3A_675, %mul3A_702 : vector<16xf32>
      %add3A_704 = arith.addf %max3A_672, %mul3A_703 : vector<16xf32>
      %div3A_705 = arith.constant 4.000000e+00 : f32
      %div3A_706 = vector.broadcast %div3A_705 : f32 to vector<16xf32>
      %div3A_707 = arith.divf %div3A_706, %add3A_704 : vector<16xf32>
      %mul3A_708 = arith.constant 16 : i32
      %mul3A_709 = arith.muli %scan3A_298, %mul3A_708 : i32
      %get3A_710 = arith.index_cast %mul3A_709 : i32 to index
      %get3A_711 = tpu.vector_load %arg14[%get3A_710] {strides = array<i32>} : memref<512xf32, #tpu.memory_space<vmem>>, vector<16xf32>,
      %add3A_712 = arith.addf %get3A_291, %get3A_711 : vector<16xf32>
      %get3A_713 = arith.index_cast %mul3A_709 : i32 to index
      %get3A_714 = tpu.vector_load %arg15[%get3A_713] {strides = array<i32>} : memref<512xf32, #tpu.memory_space<vmem>>, vector<16xf32>,
      %add3A_715 = arith.addf %add3A_712, %get3A_714 : vector<16xf32>
      %add3A_716 = arith.addf %add3A_715, %div3A_707 : vector<16xf32>
      %swap3A = arith.index_cast %mul3A_709 : i32 to index
      %swap3A_717 = tpu.vector_load %arg16[%swap3A] {strides = array<i32>} : memref<512xf32, #tpu.memory_space<vmem>>, vector<16xf32>,
      tpu.vector_store %arg16[%swap3A], %add3A_716 {strides = array<i32>} : memref<512xf32, #tpu.memory_space<vmem>>, vector<16xf32>,
    }
    %scan3A_297 = arith.constant 32 : i32
    "tpu.region"() ({
      %run_scoped3A = tpu.sem_alloc : memref<!tpu.dma_semaphore, #tpu.memory_space<semaphore_mem>>
      %dma_start3A_298 = tpu.memref_slice %arg9[%mul3A_2] : memref<16384xf32, #tpu.memory_space<hbm>> -> memref<512xf32, #tpu.memory_space<hbm>>
      %dma_start3A_299 = tpu.memref_slice %arg9[%mul3A_2] : memref<16384xf32, #tpu.memory_space<hbm>> -> memref<512xf32, #tpu.memory_space<hbm>>
      tpu.enqueue_dma source(%arg16 : memref<512xf32, #tpu.memory_space<vmem>>) target(%dma_start3A_299 : memref<512xf32, #tpu.memory_space<hbm>>) target_semaphore(%run_scoped3A : memref<!tpu.dma_semaphore, #tpu.memory_space<semaphore_mem>>)
      %dma_wait3A_300 = tpu.memref_slice %arg9[%mul3A_2] : memref<16384xf32, #tpu.memory_space<hbm>> -> memref<512xf32, #tpu.memory_space<hbm>>
      %dma_wait3A_301 = tpu.memref_slice %arg9[%mul3A_2] : memref<16384xf32, #tpu.memory_space<hbm>> -> memref<512xf32, #tpu.memory_space<hbm>>
      tpu.wait_dma2 semaphore(%run_scoped3A : memref<!tpu.dma_semaphore, #tpu.memory_space<semaphore_mem>>) src(%arg16 : memref<512xf32, #tpu.memory_space<vmem>>) dst(%dma_wait3A_301 : memref<512xf32, #tpu.memory_space<hbm>>)
      tpu.yield
    }) : () -> ()
    return
  }
}

</mosaic_0001>

<sc_bundles>
// kernel: kernel.3.cloned.1.call-start
scs
__scs_entry_jumppad:
0x0: {  	(pc) =	sbr.rel $0x88, $3  }
0x1: {  	(tag) =	ssettag $0x0;
	lr =	simm.s32 $0x1  }
0x2: {  	[smem:$0x3F9A] =	sst lr;
	_ =	strace $0xD0000000  }
0x3: {  	_ = 	snop  }
0x4: {  	_ = 	snop  }
0x5: {  	_ = 	snop  }
0x6: {  	_ = 	snop  }
0x7: {  	_ = 	snop  }
__scs_overlays_trampoline_lowered:
0x8: {  	[smem:$0x3FA9] =	sst s0  }
0x9: {  	[smem:$0x3FAA] =	sst s1  }
0xa: {  	[smem:$0x3FAB] =	sst s2  }
0xb: {  	[smem:$0x3FAC] =	sst s3  }
0xc: {  	[smem:$0x3FAD] =	sst s4  }
0xd: {  	[smem:$0x3FAE] =	sst s5  }
0xe: {  	[smem:$0x3FAF] =	sst s6  }
0xf: {  	[smem:$0x3FB0] =	sst s7  }
0x10: {  	[smem:$0x3FB1] =	sst s8  }
0x11: {  	[smem:$0x3FB2] =	sst s9;
	s0 =	simm.s32 @!p0 $0x0  }
0x12: {  	s1 =	sld [smem:$0x3F98];
	s0 =	simm.s32 @p0 $0x1  }
0x13: {  	[smem:$0x3FB3] =	sst s0;
	s0 =	simm.s32 @!p1 $0x0  }
0x14: {  	s2 =	sld [smem:$0x3F97];
	s0 =	simm.s32 @p1 $0x1  }
0x15: {  	[smem:$0x3FB4] =	sst s0;
	s0 =	simm.s32 @!p2 $0x0  }
0x16: {  	s3 =	sld [smem:$0x3FDB];
	s0 =	simm.s32 @p2 $0x1  }
0x17: {  	s4 =	simm.s32 $0x1BF5;
	[smem:$0x3FB6] =	sst s0  }
0x18: {  	s0 =	sld [smem:$0x3F99];
	_ =	swait.ge [sflag:s4], $0x0  }
0x19: {  	s7 =	sld [smem:$0x3F9A]  }
0x1a: {  	s8 =	sadd.s32 $0xFFFFE003, lr  }
0x1b: {  	s9 =	sadd.s32 $0xFFFFFEF7, lr;
	s5 =	simm.s32 $0xFFFFFFFF;
	p2 =	slt.u32 s8, $0xFFFFF086  }
0x1c: {  	p1 =	slt.u32 s9, $0xF7A;
	s5 =	simm.s32 @!p2 $0x0  }
0x1d: {  	s5 =	simm.s32 @p1 $0x1;
	p0 =	seq.s32 s7, s2  }
0x1e: {  	s7 =	smul.u32 @!p0 $0xF7A, s2;
	p2 =	seq.s32 @!p0 s5, $0x0  }
0x1f: {  	s9 =	smul.u32 $0xF7A, s1;
	s8 =	simm.s32 @!p0 $0x1BF5;
	p2 =	por !p2, p0  }
0x20: {  	[sflag:s8] =	ssyncset.s32 @!p0 $0xFFFFF086;
	s6 =	sadd.s32 @!p0 s3, s7;
	s7 =	simm.s32 @!p0 $0x108  }
0x21: {  	s3 =	sadd.s32 s3, s9;
	s6 =	sadd.s32 @!p0 $0x88, s6;
	s7 =	simm.s32 @p2 $0x1082  }
0x22: {  	[simem:s7], [sflag:s8] =	dma.local @!p0 [hbm:s6], $0xF7A  }
0x23: {  	s9 =	sor.u32 $0xD0000000, s2;
	s6 =	simm.s32 $0x108;
	_ =	swait.ge @!p0 [sflag:s8], $0x0  }
0x24: {  	s3 =	sadd.s32 $0x88, s3;
	s6 =	simm.s32 @!p1 $0x1082;
	[sflag:s4] =	ssyncset.s32 $0xFFFFF086  }
0x25: {  	[simem:s6], [sflag:s4] =	dma.local [hbm:s3], $0xF7A  }
0x26: {  	[smem:$0x3F9A] =	sst s1;
	(tag) =	ssettag s2;
	_ =	strace s9  }
0x27: {  	s1 =	sld [smem:$0x3FAA]  }
0x28: {  	s2 =	sld [smem:$0x3FAB]  }
0x29: {  	s4 =	sld [smem:$0x3FAD]  }
0x2a: {  	p0 =	seq.s32 s5, $0x0;
	s5 =	sld [smem:$0x3FAE]  }
0x2b: {  	s6 =	sld [smem:$0x3FAF]  }
0x2c: {  	s7 =	sld [smem:$0x3FB0]  }
0x2d: {  	s3 =	simm.s32 $0x108;
	s8 =	sld [smem:$0x3FB1]  }
0x2e: {  	s3 =	simm.s32 @!p0 $0x1082;
	s9 =	sld [smem:$0x3FB2]  }
0x2f: {  	lr =	sadd.s32 s0, s3;
	s0 =	sld [smem:$0x3FA9]  }
0x30: {  	s3 =	sld [smem:$0x3FAC]  }
0x31: {  	[smem:$0x3FB5] =	sst s10  }
0x32: {  	s10 =	sld [smem:$0x3FB3];
	_ =	sdelay $0x3  }
0x33: {  	p0 =	seq.s32 s10, $0x1;
	s10 =	sld [smem:$0x3FB5];
	_ =	sdelay $0x3  }
0x34: {  	[smem:$0x3FB5] =	sst s10  }
0x35: {  	s10 =	sld [smem:$0x3FB4];
	_ =	sdelay $0x3  }
0x36: {  	p1 =	seq.s32 s10, $0x1;
	s10 =	sld [smem:$0x3FB5];
	_ =	sdelay $0x3  }
0x37: {  	[smem:$0x3FB5] =	sst s10  }
0x38: {  	s10 =	sld [smem:$0x3FB6]  }
0x39: {  	_ = 	snop;
	(pc) =	sbr.ind lr, $3  }
0x3a: {  	_ = 	snop  }
0x3b: {  	_ = 	snop  }
0x3c: {  	p2 =	seq.s32 s10, $0x1;
	s10 =	sld [smem:$0x3FB5]  }
0x3d: {  	_ =	shalt  }
0x3e: {  	_ =	shalt  }
0x3f: {  	_ =	shalt  }
0x40: {  	_ =	shalt  }
0x41: {  	_ =	shalt  }
0x42: {  	_ =	shalt  }
0x43: {  	_ =	shalt  }
0x44: {  	_ =	shalt  }
0x45: {  	_ =	shalt  }
0x46: {  	_ =	shalt  }
0x47: {  	_ =	shalt  }
0x48: {  	_ =	shalt  }
0x49: {  	_ =	shalt  }
0x4a: {  	_ =	shalt  }
0x4b: {  	_ =	shalt  }
0x4c: {  	_ =	shalt  }
0x4d: {  	_ =	shalt  }
0x4e: {  	_ =	shalt  }
0x4f: {  	_ =	shalt  }
0x50: {  	_ =	shalt  }
0x51: {  	_ =	shalt  }
0x52: {  	_ =	shalt  }
0x53: {  	_ =	shalt  }
0x54: {  	_ =	shalt  }
0x55: {  	_ =	shalt  }
0x56: {  	_ =	shalt  }
0x57: {  	_ =	shalt  }
0x58: {  	_ =	shalt  }
0x59: {  	_ =	shalt  }
0x5a: {  	_ =	shalt  }
0x5b: {  	_ =	shalt  }
0x5c: {  	_ =	shalt  }
0x5d: {  	_ =	shalt  }
0x5e: {  	_ =	shalt  }
0x5f: {  	_ =	shalt  }
0x60: {  	_ =	shalt  }
0x61: {  	_ =	shalt  }
0x62: {  	_ =	shalt  }
0x63: {  	_ =	shalt  }
0x64: {  	_ =	shalt  }
0x65: {  	_ =	shalt  }
0x66: {  	_ =	shalt  }
0x67: {  	_ =	shalt  }
0x68: {  	_ =	shalt  }
0x69: {  	_ =	shalt  }
0x6a: {  	_ =	shalt  }
0x6b: {  	_ =	shalt  }
0x6c: {  	_ =	shalt  }
0x6d: {  	_ =	shalt  }
0x6e: {  	_ =	shalt  }
0x6f: {  	_ =	shalt  }
0x70: {  	_ =	shalt  }
0x71: {  	_ =	shalt  }
0x72: {  	_ =	shalt  }
0x73: {  	_ =	shalt  }
0x74: {  	_ =	shalt  }
0x75: {  	_ =	shalt  }
0x76: {  	_ =	shalt  }
0x77: {  	_ =	shalt  }
0x78: {  	_ =	shalt  }
0x79: {  	_ =	shalt  }
0x7a: {  	_ =	shalt  }
0x7b: {  	_ =	shalt  }
0x7c: {  	_ =	shalt  }
0x7d: {  	_ =	shalt  }
0x7e: {  	_ =	shalt  }
0x7f: {  	_ =	shalt  }
0x80: {  	_ =	shalt  }
0x81: {  	_ =	shalt  }
0x82: {  	_ =	shalt  }
0x83: {  	_ =	shalt  }
0x84: {  	_ =	shalt  }
0x85: {  	_ =	shalt  }
0x86: {  	_ =	shalt  }
0x87: {  	_ =	shalt  }
.Lfunc_end0:
.L_simem_size_0:
called_computation_lowered:
.L_overlay_start_0:
0x88: {  	s2 =	sld [smem:$0x3FD9]  }
0x89: {  	s3 =	sld [smem:$0x3FFE];
	_ =	sdelay $0x1  }
0x8a: {  	s1 =	srdreg.scid  }
0x8b: {  	s0 =	sand.u32 $0x1, s1  }
0x8c: {  	s17 =	sshll.u32 s0, $0xA;
	s2 =	sadd.s32 s3, s2  }
0x8d: {  	s2 =	sadd.s32 s2, s17  }
0x8e: {  	[smem:$0x3FC1] =	sst s2  }
0x8f: {  	_ = 	snop  }
0x90: {  	s2 =	sld [smem:$0x3FC9]  }
0x91: {  	s18 =	sld [smem:$0x3FC8]  }
0x92: {  	s4 =	sld [smem:$0x3FC5]  }
0x93: {  	s5 =	sld [smem:$0x3FC4]  }
0x94: {  	s6 =	sld [smem:$0x3FD0];
	(tm) =	ssettm $0x1  }
0x95: {  	s7 =	sld [smem:$0x3FFB];
	_ =	sdelay $0x3  }
0x96: {  	_ =	strace s7  }
0x97: {  	s7 =	sld [smem:$0x3FFC];
	_ =	sdelay $0x3  }
0x98: {  	_ =	strace s7  }
0x99: {  	s7 =	sld [smem:$0x3FFD];
	_ =	sdelay $0x3  }
0x9a: {  	_ =	strace s7  }
0x9b: {  	_ =	strace $0x8FFFFFFF  }
0x9c: {  	s19 =	sld [smem:$0x3FDB];
	_ =	sdelay $0x1  }
0x9d: {  	s8 =	simm.s32 $_scs_section_size  }
0x9e: {  	s9 =	simm.s32 $_size__tile_overlayer_lowered;
	s10 =	simm.s32 $_tile_overlayer_lowered  }
0x9f: {  	s22 =	simm.s32 $0x1BFF;
	s21 =	sshll.u32 s10, $0x1;
	s7 =	sadd.s32 s8, s19  }
0xa0: {  	s11 =	simm.s32 $0x0;
	s20 =	sshll.u32 s9, $0x1;
	s9 =	sadd.s32 s21, s7  }
0xa1: {  	[timem:s11], [sflag:s22] =	dma.local [hbm:s9], s20  }
0xa2: {  	_ =	swait.ge [sflag:s22], s20  }
0xa3: {  	s8 =	ssub.s32 $0x0, s20;
	[sflag:s22] =	ssyncset.done $0x0  }
0xa4: {  	[sflag:s22] =	ssyncadd.s32 s8;
	_ =	sdelay $0x1  }
0xa5: {  	s23 =	simm.s32 $0x1B8B  }
0xa6: {  	_ =	swait.ge [sflag:s23], $0x1  }
0xa7: {  	[sflag:s23] =	ssyncset.done $0x0  }
0xa8: {  	s25 =	simm.s32 $0x1B8E;
	s24 =	sld [smem:$0x3FFE];
	[sflag:s23] =	ssyncadd.s32 $0xFFFFFFFF  }
0xa9: {  	s26 =	simm.s32 $execute0_lowered;
	[smem:$0x3FD2] =	sst s25  }
0xaa: {  	s9 =	sshll.u32 s26, $0x1;
	_ =	strace $0x80000046;
	[dreg:$0x1] =	wrdreg $0xFFFFFFFF  }
0xab: {  	s28 =	simm.s32 $_size_execute0_lowered;
	s7 =	sadd.s32 s7, s9;
	[dreg:$0x0] =	wrdreg $0x0  }
0xac: {  	s9 =	sshll.u32 s28, $0x1;
	[dreg:$0x2] =	wrdreg s7  }
0xad: {  	[dreg:$0x3] =	wrdreg s9  }
0xae: {  	[dreg:$0x4] =	wrdreg $0xC0  }
0xaf: {  	_ =	task [dreg:s11], $0x5FFFF  }
0xb0: {  	[dreg:$0x1] =	wrdreg $0xFFFFFFFF  }
0xb1: {  	[dreg:$0x0] =	wrdreg $0x60  }
0xb2: {  	[dreg:$0x2] =	wrdreg s2  }
0xb3: {  	[dreg:$0x3] =	wrdreg s18  }
0xb4: {  	[dreg:$0x4] =	wrdreg s24  }
0xb5: {  	[dreg:$0x5] =	wrdreg s4  }
0xb6: {  	[dreg:$0x6] =	wrdreg s5  }
0xb7: {  	[dreg:$0x7] =	wrdreg s6  }
0xb8: {  	[dreg:$0x8] =	wrdreg $0x9  }
0xb9: {  	_ =	task.clear_ibuf [dreg:s11], $0x9FFFF;
	_ =	strace $0x90000046  }
0xba: {  	s29 =	simm.s32 $0x9;
	_ =	strace $0x80000048  }
0xbb: {  	_ =	swait.ge [sflag:s29], $0x1  }
0xbc: {  	[sflag:s29] =	ssyncadd.s32 $0xFFFFFFFF  }
0xbd: {  	_ =	strace $0x90000048  }
0xbe: {  	_ =	sfence  }
0xbf: {  	s30 =	sld [smem:$0x0];
	_ =	sdelay $0x2  }
0xc0: {  	s31 =	sshll.u32 s1, $0xD;
	s1 =	sshrl.u32 s1, $0x2  }
0xc1: {  	s3 =	sand.u32 $0x4000, s31;
	s1 =	sadd.s32 s1, s30  }
0xc2: {  	s0 =	sor.u32 s3, s0;
	s1 =	sshll.u32 s1, $0x11  }
0xc3: {  	s0 =	sor.u32 s1, s0  }
0xc4: {  	s0 =	sadd.s32 $0x8F2B, s0  }
0xc5: {  	[sflag:s0] =	ssyncadd.remote.s32 $0x1  }
0xc6: {  	_ =	sfence.sel $0xFFFF  }
0xc7: {  	[dreg:$0x0] =	wrdreg $0xFFFFFFFF;
	(pc) =	sbr.abs _section_cstart, $3  }
0xc8: {  	[dreg:$0x1] =	wrdreg $0xFFFFFFFF  }
0xc9: {  	_ =	task.clear_ibuf [dreg:s11], $0x2FFFF;
	_ =	strace $0x9FFFFFFF  }
0xca: {  	(tm) =	ssettm $0x7FFFFFFF  }
0xcb: {  	_ =	shalt  }
tec
execute0_lowered:
.L_overlay_start_1:
0x0: {  	(tag) =	ssettag $0x1  }
0x1: {  	s0 =	rddreg [dreg:$0x0]  }
0x2: {  	s4 =	rddreg [dreg:$0x1]  }
0x3: {  	s7 =	rddreg [dreg:$0x2]  }
0x4: {  	s1 =	rddreg [dreg:$0x3]  }
0x5: {  	s2 =	rddreg [dreg:$0x4]  }
0x6: {  	s10 =	rddreg [dreg:$0x5];
	s3 =	simm.s32 $0x0;
	s6 =	srdreg.scid  }
0x7: {  	s12 =	stileid.u32;
	s13 =	simm.s32 $0x200;
	s15 =	simm.s32 $0x80  }
0x8: {  	s16 =	simm.s32 $0x400;
	s17 =	simm.s32 $0x4400;
	s19 =	simm.s32 $0x280  }
0x9: {  	s23 =	simm.s32 $0x100;
	s25 =	simm.s32 $0x300;
	s30 =	simm.s32 $0x180  }
0xa: {  	s20 =	simm.s32 $0x1;
	s21 =	simm.s32 $0x8800;
	s22 =	simm.s32 $0x0  }
0xb: {  	[smem:$0x7FF] =	sst s3;
	s5 =	sadd.s32 $0x1313200, s7;
	s8 =	sand.u32 $0x1, s6  }
0xc: {  	s6 =	sadd.s32 $0xF42800, s7;
	s12 =	sshll.u32 s12, $0x7;
	s9 =	ssub.s32 $0x2, s8  }
0xd: {  	s7 =	sadd.s32 $0x400, s7;
	s8 =	sshll.u32 s8, $0x6;
	s11 =	sshrl.u32 s9, $0x1  }
0xe: {  	_ =	strace $0x80000047;
	s12 =	sor.u32 s8, s12;
	s11 =	ssub.s32 s9, s11  }
0xf: {  	v0 =	vlaneseq.u32;
	s8 =	sadd.s32 s0, s12;
	s9 =	sadd.s32 s4, s12;
	s10 =	sadd.s32 s10, s12  }
0x10: {  	v0 =	vmul.u32 $0x20, v0;
	s12 =	simm.s32 $0x2;
	s0 =	simm.s32 $0x380;
	s11 =	smax.u32 s11, $0x1  }
.LBB2_1:
0x11: {  	[tilespmem:s3], [sflag:$0x2] =	stream.linear.gather [hbm4b:s8+s3], $0x200, $0x38;
	[tilespmem:$0x8A10] =	vst v63  }
0x12: {  	_ =	swait.ge [sflag:s12], $0x200  }
0x13: {  	[sflag:s12] =	ssyncset.done $0x0  }
0x14: {  	[sflag:s12] =	ssyncadd.s32 $0xFFFFFE00  }
0x15: {  	[tilespmem:s13], [sflag:$0x2] =	stream.linear.gather [hbm4b:s9+s3], $0x200, $0x38;
	[tilespmem:$0x8A10] =	vst v63  }
0x16: {  	_ =	swait.ge [sflag:s12], $0x200  }
0x17: {  	[sflag:s12] =	ssyncset.done $0x0  }
0x18: {  	s4 =	simm.s32 $0x8A00;
	[sflag:s12] =	ssyncadd.s32 $0xFFFFFE00  }
0x19: {  	[tilespmem:s4], [sflag:$0x2] =	stream.linear.gather [hbm4b:s7+s3], $0x10, $0x38;
	[tilespmem:$0x8A10] =	vst v63  }
0x1a: {  	_ =	swait.ge [sflag:s12], $0x10  }
0x1b: {  	[sflag:s12] =	ssyncset.done $0x0  }
0x1c: {  	[sflag:s12] =	ssyncadd.s32 $0xFFFFFFF0  }
0x1d: {  	[tilespmem:s16], [sflag:$0x1] =	stream.indirect.gather [hbm4b:s5+s15], $0x20, s3, s15, $0xb8;
	[tilespmem:$0x8A10] =	vst v63  }
0x1e: {  	_ = 	snop  }
0x1f: {  	[tilespmem:s17], [sflag:$0x1] =	stream.indirect.gather [hbm4b:s6+s15], $0x20, s13, s15, $0xb8;
	[tilespmem:$0x8A10] =	vst v63  }
0x20: {  	s24 =	simm.s32 $0x8400  }
0x21: {  	[tilespmem:s24], [sflag:$0x1] =	stream.indirect.gather [hbm4b:s1+s15], $0x1, s3, s15, $0xb8;
	[tilespmem:$0x8A10] =	vst v63  }
0x22: {  	s26 =	simm.s32 $0x8600  }
0x23: {  	[tilespmem:s26], [sflag:$0x1] =	stream.indirect.gather [hbm4b:s2+s15], $0x1, s13, s15, $0xb8;
	[tilespmem:$0x8A10] =	vst v63  }
0x24: {  	s14 =	simm.s32 $0x1400  }
0x25: {  	[tilespmem:s14], [sflag:$0x1] =	stream.indirect.gather [hbm4b:s5+s15], $0x20, s15, s15, $0xb8;
	[tilespmem:$0x8A10] =	vst v63  }
0x26: {  	s18 =	simm.s32 $0x5400  }
0x27: {  	[tilespmem:s18], [sflag:$0x1] =	stream.indirect.gather [hbm4b:s6+s15], $0x20, s19, s15, $0xb8;
	[tilespmem:$0x8A10] =	vst v63  }
0x28: {  	s14 =	simm.s32 $0x8480  }
0x29: {  	[tilespmem:s14], [sflag:$0x1] =	stream.indirect.gather [hbm4b:s1+s15], $0x1, s15, s15, $0xb8;
	[tilespmem:$0x8A10] =	vst v63  }
0x2a: {  	s18 =	simm.s32 $0x8680  }
0x2b: {  	[tilespmem:s18], [sflag:$0x1] =	stream.indirect.gather [hbm4b:s2+s15], $0x1, s19, s15, $0xb8;
	[tilespmem:$0x8A10] =	vst v63  }
0x2c: {  	s14 =	simm.s32 $0x2400  }
0x2d: {  	[tilespmem:s14], [sflag:$0x1] =	stream.indirect.gather [hbm4b:s5+s15], $0x20, s23, s15, $0xb8;
	[tilespmem:$0x8A10] =	vst v63  }
0x2e: {  	s18 =	simm.s32 $0x6400  }
0x2f: {  	[tilespmem:s18], [sflag:$0x1] =	stream.indirect.gather [hbm4b:s6+s15], $0x20, s25, s15, $0xb8;
	[tilespmem:$0x8A10] =	vst v63  }
0x30: {  	s14 =	simm.s32 $0x8500  }
0x31: {  	[tilespmem:s14], [sflag:$0x1] =	stream.indirect.gather [hbm4b:s1+s15], $0x1, s23, s15, $0xb8;
	[tilespmem:$0x8A10] =	vst v63  }
0x32: {  	s18 =	simm.s32 $0x8700  }
0x33: {  	[tilespmem:s18], [sflag:$0x1] =	stream.indirect.gather [hbm4b:s2+s15], $0x1, s25, s15, $0xb8;
	[tilespmem:$0x8A10] =	vst v63  }
0x34: {  	s14 =	simm.s32 $0x3400  }
0x35: {  	[tilespmem:s14], [sflag:$0x1] =	stream.indirect.gather [hbm4b:s5+s15], $0x20, s30, s15, $0xb8;
	[tilespmem:$0x8A10] =	vst v63  }
0x36: {  	s18 =	simm.s32 $0x7400  }
0x37: {  	[tilespmem:s18], [sflag:$0x1] =	stream.indirect.gather [hbm4b:s6+s15], $0x20, s0, s15, $0xb8;
	[tilespmem:$0x8A10] =	vst v63  }
0x38: {  	s14 =	simm.s32 $0x8580  }
0x39: {  	[tilespmem:s14], [sflag:$0x1] =	stream.indirect.gather [hbm4b:s1+s15], $0x1, s30, s15, $0xb8;
	[tilespmem:$0x8A10] =	vst v63  }
0x3a: {  	s18 =	simm.s32 $0x8780  }
0x3b: {  	[tilespmem:s18], [sflag:$0x1] =	stream.indirect.gather [hbm4b:s2+s15], $0x1, s0, s15, $0xb8;
	[tilespmem:$0x8A10] =	vst v63  }
0x3c: {  	_ =	swait.ge [sflag:s20], $0x1000  }
0x3d: {  	[sflag:s20] =	ssyncset.done $0x0  }
0x3e: {  	[sflag:s20] =	ssyncadd.s32 $0xFFFFF000  }
0x3f: {  	_ =	swait.ge [sflag:s20], $0x1000  }
0x40: {  	[sflag:s20] =	ssyncset.done $0x0  }
0x41: {  	[sflag:s20] =	ssyncadd.s32 $0xFFFFF000  }
0x42: {  	_ =	swait.ge [sflag:s20], $0x80  }
0x43: {  	[sflag:s20] =	ssyncset.done $0x0  }
0x44: {  	[sflag:s20] =	ssyncadd.s32 $0xFFFFFF80  }
0x45: {  	_ =	swait.ge [sflag:s20], $0x80  }
0x46: {  	[sflag:s20] =	ssyncset.done $0x0  }
0x47: {  	[sflag:s20] =	ssyncadd.s32 $0xFFFFFF80  }
0x48: {  	_ =	swait.ge [sflag:s20], $0x1000  }
0x49: {  	[sflag:s20] =	ssyncset.done $0x0  }
0x4a: {  	[sflag:s20] =	ssyncadd.s32 $0xFFFFF000  }
0x4b: {  	_ =	swait.ge [sflag:s20], $0x1000  }
0x4c: {  	[sflag:s20] =	ssyncset.done $0x0  }
0x4d: {  	[sflag:s20] =	ssyncadd.s32 $0xFFFFF000  }
0x4e: {  	_ =	swait.ge [sflag:s20], $0x80  }
0x4f: {  	[sflag:s20] =	ssyncset.done $0x0  }
0x50: {  	[sflag:s20] =	ssyncadd.s32 $0xFFFFFF80  }
0x51: {  	_ =	swait.ge [sflag:s20], $0x80  }
0x52: {  	[sflag:s20] =	ssyncset.done $0x0  }
0x53: {  	[sflag:s20] =	ssyncadd.s32 $0xFFFFFF80  }
0x54: {  	_ =	swait.ge [sflag:s20], $0x1000  }
0x55: {  	[sflag:s20] =	ssyncset.done $0x0  }
0x56: {  	[sflag:s20] =	ssyncadd.s32 $0xFFFFF000  }
0x57: {  	_ =	swait.ge [sflag:s20], $0x1000  }
0x58: {  	[sflag:s20] =	ssyncset.done $0x0  }
0x59: {  	[sflag:s20] =	ssyncadd.s32 $0xFFFFF000  }
0x5a: {  	_ =	swait.ge [sflag:s20], $0x80  }
0x5b: {  	[sflag:s20] =	ssyncset.done $0x0  }
0x5c: {  	[sflag:s20] =	ssyncadd.s32 $0xFFFFFF80  }
0x5d: {  	_ =	swait.ge [sflag:s20], $0x80  }
0x5e: {  	[sflag:s20] =	ssyncset.done $0x0  }
0x5f: {  	[sflag:s20] =	ssyncadd.s32 $0xFFFFFF80  }
0x60: {  	_ =	swait.ge [sflag:s20], $0x1000  }
0x61: {  	[sflag:s20] =	ssyncset.done $0x0  }
0x62: {  	[sflag:s20] =	ssyncadd.s32 $0xFFFFF000  }
0x63: {  	_ =	swait.ge [sflag:s20], $0x1000  }
0x64: {  	[sflag:s20] =	ssyncset.done $0x0  }
0x65: {  	v1 =	vmov s3;
	[sflag:s20] =	ssyncadd.s32 $0xFFFFF000  }
0x66: {  	v1 =	vshll.u32 v1, $0x5;
	_ =	swait.ge [sflag:s20], $0x80  }
0x67: {  	v1 =	vor.u32 v0, v1;
	[sflag:s20] =	ssyncset.done $0x0  }
0x68: {  	v2 =	vor.u32 $0x4, v1;
	[sflag:s20] =	ssyncadd.s32 $0xFFFFFF80  }
0x69: {  	v3 =	vor.u32 $0x2, v1;
	_ =	swait.ge [sflag:s20], $0x80  }
0x6a: {  	[sflag:s20] =	ssyncset.done $0x0  }
0x6b: {  	[sflag:s20] =	ssyncadd.s32 $0xFFFFFF80  }
0x6c: {  	v4 =	vor.u32 $0x1, v1;
	v22 =	vld.idx.msk [tilespmem:v1+s16+$0x0], $0xffff  }
0x6d: {  	v26 =	vld.idx.msk [tilespmem:v2+s16+$0x0], $0xffff  }
0x6e: {  	v29 =	vor.u32 $0x3, v1;
	v30 =	vld.idx.msk [tilespmem:v3+s16+$0x0], $0xffff  }
0x6f: {  	v31 =	vld.idx.msk [tilespmem:v3+s17+$0x0], $0xffff  }
0x70: {  	v18 =	vor.u32 $0x5, v1;
	v32 =	vld.idx.msk [tilespmem:v1+s17+$0x0], $0xffff  }
0x71: {  	v33 =	vld.idx.msk [tilespmem:v4+s16+$0x0], $0xffff  }
0x72: {  	v19 =	vor.u32 $0xD, v1;
	v20 =	vor.u32 $0x7, v1;
	v21 =	vor.u32 $0x8, v1;
	v34 =	vld.idx.msk [tilespmem:v4+s17+$0x0], $0xffff  }
0x73: {  	v23 =	vor.u32 $0x9, v1;
	v24 =	vor.u32 $0xA, v1;
	v35 =	vor.u32 $0x6, v1;
	v36 =	vld.idx.msk [tilespmem:v29+s16+$0x0], $0xffff  }
0x74: {  	v25 =	vor.u32 $0xB, v1;
	v27 =	vor.u32 $0xC, v1;
	v28 =	vor.u32 $0xE, v1;
	v37 =	vld.idx.msk [tilespmem:v2+s17+$0x0], $0xffff  }
0x75: {  	v17 =	vor.u32 $0xF, v1;
	v16 =	vor.u32 $0x10, v1;
	v15 =	vor.u32 $0x11, v1;
	v41 =	vld.idx.msk [tilespmem:v18+s16+$0x0], $0xffff  }
0x76: {  	v14 =	vor.u32 $0x12, v1;
	v13 =	vor.u32 $0x13, v1;
	v12 =	vor.u32 $0x14, v1;
	v18 =	vld.idx.msk [tilespmem:v18+s17+$0x0], $0xffff  }
0x77: {  	v11 =	vor.u32 $0x15, v1;
	v10 =	vor.u32 $0x16, v1;
	v9 =	vor.u32 $0x17, v1;
	v29 =	vld.idx.msk [tilespmem:v29+s17+$0x0], $0xffff  }
0x78: {  	v8 =	vor.u32 $0x18, v1;
	v7 =	vor.u32 $0x19, v1;
	v6 =	vor.u32 $0x1A, v1;
	v61 =	vld.idx.msk [tilespmem:v35+s16+$0x0], $0xffff  }
0x79: {  	v5 =	vor.u32 $0x1B, v1;
	v4 =	vor.u32 $0x1C, v1;
	v50 =	vld.idx.msk [tilespmem:v20+s17+$0x0], $0xffff;
	v38 =	vmul.f32 v22, v22  }
0x7a: {  	v3 =	vor.u32 $0x1D, v1;
	v20 =	vld.idx.msk [tilespmem:v20+s16+$0x0], $0xffff;
	v39 =	vmul.f32 v30, v30;
	v40 =	vmul.f32 v31, v31  }
0x7b: {  	v2 =	vor.u32 $0x1E, v1;
	v54 =	vld.idx.msk [tilespmem:v23+s17+$0x0], $0xffff;
	v59 =	vmul.f32 v32, v32;
	v42 =	vmul.f32 v33, v33  }
0x7c: {  	v23 =	vld.idx.msk [tilespmem:v23+s16+$0x0], $0xffff;
	v30 =	vsub.f32 v30, v31;
	v60 =	vmul.f32 v34, v34;
	v62 =	vmul.f32 v36, v36  }
0x7d: {  	v22 =	vsub.f32 v22, v32;
	v44 =	vmul.f32 v26, v26;
	v49 =	vmul.f32 v37, v37  }
0x7e: {  	v43 =	vld.idx.msk [tilespmem:v27+s17+$0x0], $0xffff;
	v45 =	vmul.f32 v41, v41;
	v51 =	vsub.f32 v41, v18;
	v18 =	vmul.f32 v18, v18  }
0x7f: {  	v33 =	vsub.f32 v33, v34;
	v52 =	vmul.f32 v29, v29;
	v46 =	vmul.f32 v61, v61  }
0x80: {  	v48 =	vld.idx.msk [tilespmem:v35+s17+$0x0], $0xffff;
	v26 =	vsub.f32 v26, v37;
	v57 =	vmul.f32 v50, v50;
	v58 =	vmul.f32 v20, v20  }
0x81: {  	v53 =	vld.idx.msk [tilespmem:v21+s17+$0x0], $0xffff;
	v20 =	vsub.f32 v20, v50;
	v50 =	vmul.f32 v23, v23;
	v30 =	vmul.f32 v30, v30  }
0x82: {  	v56 =	vld.idx.msk [tilespmem:v25+s17+$0x0], $0xffff;
	v38 =	vadd.f32 v42, v38;
	v31 =	vadd.f32 v60, v59;
	v63 =	vmul.f32 v33, v33  }
0x83: {  	v29 =	vsub.f32 v36, v29;
	v22 =	vmul.f32 v22, v22;
	v42 =	vmul.f32 v43, v43  }
0x84: {  	v25 =	vld.idx.msk [tilespmem:v25+s16+$0x0], $0xffff;
	v26 =	vmul.f32 v26, v26;
	v38 =	vadd.f32 v39, v38;
	v31 =	vadd.f32 v40, v31  }
0x85: {  	v55 =	vsub.f32 v61, v48;
	v29 =	vmul.f32 v29, v29;
	v33 =	vmul.f32 v48, v48  }
0x86: {  	v27 =	vld.idx.msk [tilespmem:v27+s16+$0x0], $0xffff;
	v59 =	vmul.f32 v53, v53;
	v38 =	vadd.f32 v62, v38;
	v31 =	vadd.f32 v52, v31  }
0x87: {  	v23 =	vsub.f32 v23, v54;
	v32 =	vmul.f32 v55, v55;
	v48 =	vmul.f32 v56, v56  }
0x88: {  	v21 =	vld.idx.msk [tilespmem:v21+s16+$0x0], $0xffff;
	v20 =	vmul.f32 v20, v20;
	v38 =	vadd.f32 v44, v38;
	v31 =	vadd.f32 v49, v31  }
0x89: {  	v35 =	vld.idx.msk [tilespmem:v10+s17+$0x0], $0xffff;
	v55 =	vmul.f32 v25, v25;
	v25 =	vsub.f32 v25, v56;
	v22 =	vadd.f32 v63, v22  }
0x8a: {  	v61 =	vld.idx.msk [tilespmem:v24+s17+$0x0], $0xffff;
	v23 =	vmul.f32 v23, v23;
	v60 =	vadd.f32 v45, v38;
	v18 =	vadd.f32 v18, v31  }
0x8b: {  	v24 =	vld.idx.msk [tilespmem:v24+s16+$0x0], $0xffff;
	v56 =	vmul.f32 v27, v27;
	v27 =	vsub.f32 v27, v43;
	v22 =	vadd.f32 v30, v22  }
0x8c: {  	v34 =	vld.idx.msk [tilespmem:v11+s17+$0x0], $0xffff;
	v39 =	vmul.f32 v51, v51;
	v30 =	vadd.f32 v46, v60;
	v18 =	vadd.f32 v33, v18  }
0x8d: {  	v41 =	vld.idx.msk [tilespmem:v14+s16+$0x0], $0xffff;
	v62 =	vmul.f32 v21, v21;
	v21 =	vsub.f32 v21, v53;
	v22 =	vadd.f32 v29, v22  }
0x8e: {  	v63 =	vmul.f32 v54, v54;
	v53 =	vld.idx.msk [tilespmem:v19+s17+$0x0], $0xffff;
	v49 =	vadd.f32 v58, v30;
	v18 =	vadd.f32 v57, v18  }
0x8f: {  	v25 =	vmul.f32 v25, v25;
	v27 =	vmul.f32 v27, v27;
	v19 =	vld.idx.msk [tilespmem:v19+s16+$0x0], $0xffff;
	v22 =	vadd.f32 v26, v22  }
0x90: {  	v51 =	vmul.f32 v61, v61;
	v38 =	vld.idx.msk [tilespmem:v15+s16+$0x0], $0xffff;
	v52 =	vadd.f32 v62, v49;
	v18 =	vadd.f32 v59, v18  }
0x91: {  	v54 =	vmul.f32 v24, v24;
	v24 =	vsub.f32 v24, v61;
	v45 =	vld.idx.msk [tilespmem:v13+s16+$0x0], $0xffff;
	v22 =	vadd.f32 v39, v22  }
0x92: {  	v37 =	vmul.f32 v34, v34;
	v60 =	vld.idx.msk [tilespmem:v17+s16+$0x0], $0xffff;
	v26 =	vadd.f32 v50, v52;
	v18 =	vadd.f32 v63, v18  }
0x93: {  	v24 =	vmul.f32 v24, v24;
	v21 =	vmul.f32 v21, v21;
	v17 =	vld.idx.msk [tilespmem:v17+s17+$0x0], $0xffff;
	v22 =	vadd.f32 v32, v22  }
0x94: {  	v31 =	vmul.f32 v35, v35;
	v57 =	vld.idx.msk [tilespmem:v28+s16+$0x0], $0xffff;
	v26 =	vadd.f32 v54, v26;
	v18 =	vadd.f32 v51, v18  }
0x95: {  	v28 =	vld.idx.msk [tilespmem:v28+s17+$0x0], $0xffff;
	v47 =	vmul.f32 v38, v38;
	v20 =	vadd.f32 v20, v22;
	v59 =	vmul.f32 v53, v53  }
0x96: {  	v14 =	vld.idx.msk [tilespmem:v14+s17+$0x0], $0xffff;
	v62 =	vmul.f32 v19, v19;
	v58 =	vadd.f32 v55, v26;
	v18 =	vadd.f32 v48, v18  }
0x97: {  	v19 =	vsub.f32 v19, v53;
	v49 =	vld.idx.msk [tilespmem:v12+s17+$0x0], $0xffff;
	v53 =	vmul.f32 v45, v45;
	v39 =	vmul.f32 v60, v60  }
0x98: {  	v44 =	vmul.f32 v17, v17;
	v63 =	vld.idx.msk [tilespmem:v16+s16+$0x0], $0xffff;
	v61 =	vadd.f32 v56, v58;
	v18 =	vadd.f32 v42, v18  }
0x99: {  	v17 =	vsub.f32 v60, v17;
	v20 =	vadd.f32 v21, v20;
	v16 =	vld.idx.msk [tilespmem:v16+s17+$0x0], $0xffff;
	v36 =	vmul.f32 v57, v57  }
0x9a: {  	v12 =	vld.idx.msk [tilespmem:v12+s16+$0x0], $0xffff;
	v40 =	vmul.f32 v28, v28;
	v21 =	vadd.f32 v62, v61;
	v18 =	vadd.f32 v59, v18  }
0x9b: {  	v15 =	vld.idx.msk [tilespmem:v15+s17+$0x0], $0xffff;
	v19 =	vmul.f32 v19, v19;
	v33 =	vsub.f32 v57, v28;
	v20 =	vadd.f32 v23, v20  }
0x9c: {  	v54 =	vmul.f32 v14, v14;
	v21 =	vadd.f32 v36, v21;
	v18 =	vadd.f32 v40, v18  }
0x9d: {  	v13 =	vld.idx.msk [tilespmem:v13+s17+$0x0], $0xffff;
	v14 =	vsub.f32 v41, v14;
	v20 =	vadd.f32 v24, v20;
	v43 =	vmul.f32 v63, v63  }
0x9e: {  	v46 =	vmul.f32 v16, v16;
	v21 =	vadd.f32 v39, v21;
	v18 =	vadd.f32 v44, v18  }
0x9f: {  	v57 =	vmul.f32 v12, v12;
	v12 =	vsub.f32 v12, v49;
	v20 =	vadd.f32 v25, v20  }
0xa0: {  	v48 =	vmul.f32 v15, v15;
	v21 =	vadd.f32 v43, v21;
	v18 =	vadd.f32 v46, v18  }
0xa1: {  	v50 =	vmul.f32 v41, v41;
	v15 =	vsub.f32 v38, v15;
	v20 =	vadd.f32 v27, v20  }
0xa2: {  	v55 =	vmul.f32 v13, v13;
	v21 =	vadd.f32 v47, v21;
	v18 =	vadd.f32 v48, v18  }
0xa3: {  	v11 =	vld.idx.msk [tilespmem:v11+s16+$0x0], $0xffff;
	v13 =	vsub.f32 v45, v13;
	v42 =	vmul.f32 v33, v33;
	v19 =	vadd.f32 v19, v20  }
0xa4: {  	v10 =	vld.idx.msk [tilespmem:v10+s16+$0x0], $0xffff;
	v17 =	vmul.f32 v17, v17;
	v52 =	vadd.f32 v50, v21;
	v18 =	vadd.f32 v54, v18  }
0xa5: {  	v51 =	vld.idx.msk [tilespmem:v9+s17+$0x0], $0xffff;
	v14 =	vmul.f32 v14, v14;
	v16 =	vsub.f32 v63, v16;
	v19 =	vadd.f32 v42, v19  }
0xa6: {  	v9 =	vld.idx.msk [tilespmem:v9+s16+$0x0], $0xffff;
	v56 =	vmul.f32 v49, v49;
	v20 =	vadd.f32 v53, v52;
	v18 =	vadd.f32 v55, v18  }
0xa7: {  	v28 =	vld.idx.msk [tilespmem:v6+s16+$0x0], $0xffff;
	v12 =	vmul.f32 v12, v12;
	v16 =	vmul.f32 v16, v16;
	v17 =	vadd.f32 v17, v19  }
0xa8: {  	v59 =	vmul.f32 v11, v11;
	v61 =	vld.idx.msk [tilespmem:v8+s16+$0x0], $0xffff;
	v19 =	vadd.f32 v57, v20;
	v60 =	vadd.f32 v56, v18  }
0xa9: {  	v15 =	vmul.f32 v15, v15;
	v13 =	vmul.f32 v13, v13;
	v8 =	vld.idx.msk [tilespmem:v8+s17+$0x0], $0xffff;
	v16 =	vadd.f32 v16, v17  }
0xaa: {  	v25 =	vld.idx.msk [tilespmem:v7+s16+$0x0], $0xffff;
	v62 =	vmul.f32 v10, v10;
	v19 =	vadd.f32 v59, v19;
	v63 =	vadd.f32 v37, v60  }
0xab: {  	v7 =	vld.idx.msk [tilespmem:v7+s17+$0x0], $0xffff;
	v26 =	vmul.f32 v9, v9;
	v9 =	vsub.f32 v9, v51;
	v15 =	vadd.f32 v15, v16  }
0xac: {  	v6 =	vld.idx.msk [tilespmem:v6+s17+$0x0], $0xffff;
	v58 =	vmul.f32 v51, v51;
	v19 =	vadd.f32 v62, v19;
	v27 =	vadd.f32 v31, v63  }
0xad: {  	v11 =	vsub.f32 v11, v34;
	v34 =	vld.idx.msk [tilespmem:v4+s16+$0x0], $0xffff;
	v29 =	vmul.f32 v61, v61;
	v14 =	vadd.f32 v14, v15  }
0xae: {  	v32 =	vmul.f32 v8, v8;
	v31 =	vld.idx.msk [tilespmem:v5+s16+$0x0], $0xffff;
	v19 =	vadd.f32 v26, v19;
	v30 =	vadd.f32 v58, v27  }
0xaf: {  	v10 =	vsub.f32 v10, v35;
	v33 =	vmul.f32 v25, v25;
	v13 =	vadd.f32 v13, v14;
	v5 =	vld.idx.msk [tilespmem:v5+s17+$0x0], $0xffff  }
0xb0: {  	v4 =	vld.idx.msk [tilespmem:v4+s17+$0x0], $0xffff;
	v35 =	vmul.f32 v7, v7;
	v19 =	vadd.f32 v29, v19;
	v14 =	vadd.f32 v32, v30  }
0xb1: {  	v1 =	vor.u32 $0x1F, v1;
	v38 =	vmul.f32 v6, v6;
	v9 =	vmul.f32 v9, v9;
	v39 =	vld.idx.msk [tilespmem:v3+s16+$0x0], $0xffff  }
0xb2: {  	v3 =	vld.idx.msk [tilespmem:v3+s17+$0x0], $0xffff;
	v37 =	vmul.f32 v28, v28;
	v36 =	vadd.f32 v33, v19;
	v14 =	vadd.f32 v35, v14  }
0xb3: {  	v11 =	vmul.f32 v11, v11;
	v42 =	vld.idx.msk [tilespmem:v2+s16+$0x0], $0xffff;
	v12 =	vadd.f32 v12, v13;
	v40 =	vmul.f32 v31, v31  }
0xb4: {  	v2 =	vld.idx.msk [tilespmem:v2+s17+$0x0], $0xffff;
	v41 =	vmul.f32 v5, v5;
	v13 =	vadd.f32 v37, v36;
	v14 =	vadd.f32 v38, v14  }
0xb5: {  	v10 =	vmul.f32 v10, v10;
	v44 =	vmul.f32 v34, v34  }
0xb6: {  	v45 =	vld.idx.msk [tilespmem:v1+s17+$0x0], $0xffff;
	v46 =	vmul.f32 v4, v4;
	v43 =	vadd.f32 v40, v13;
	v14 =	vadd.f32 v41, v14  }
0xb7: {  	v1 =	vld.idx.msk [tilespmem:v1+s16+$0x0], $0xffff;
	v7 =	vsub.f32 v25, v7;
	v48 =	vmul.f32 v39, v39;
	v11 =	vadd.f32 v11, v12  }
0xb8: {  	v50 =	vmul.f32 v3, v3;
	v47 =	vadd.f32 v44, v43;
	v49 =	vadd.f32 v46, v14  }
0xb9: {  	v8 =	vsub.f32 v61, v8;
	v54 =	vmul.f32 v2, v2;
	v10 =	vadd.f32 v10, v11  }
0xba: {  	v53 =	vmul.f32 v42, v42;
	v51 =	vadd.f32 v48, v47;
	v52 =	vadd.f32 v50, v49  }
0xbb: {  	v8 =	vmul.f32 v8, v8;
	v55 =	vmul.f32 v45, v45;
	v9 =	vadd.f32 v9, v10  }
0xbc: {  	v56 =	vmul.f32 v1, v1;
	v10 =	vadd.f32 v53, v51;
	v11 =	vadd.f32 v54, v52  }
0xbd: {  	v6 =	vsub.f32 v28, v6;
	v7 =	vmul.f32 v7, v7;
	v8 =	vadd.f32 v8, v9  }
0xbe: {  	v57 =	vadd.f32 v56, v10;
	v9 =	vadd.f32 v55, v11  }
0xbf: {  	v6 =	vmul.f32 v6, v6;
	v5 =	vsub.f32 v31, v5;
	v7 =	vadd.f32 v7, v8  }
0xc0: {  	v58 =	vsub.f32 $1.000000000e+00, v57;
	v59 =	vsub.f32 $1.000000000e+00, v9  }
0xc1: {  	v4 =	vsub.f32 v34, v4;
	v5 =	vmul.f32 v5, v5;
	v6 =	vadd.f32 v6, v7  }
0xc2: {  	v60 =	vmul.f32 v59, v58  }
0xc3: {  	v4 =	vmul.f32 v4, v4;
	v3 =	vsub.f32 v39, v3;
	v5 =	vadd.f32 v5, v6  }
0xc4: {  	v2 =	vsub.f32 v42, v2;
	v61 =	vmax.f32 v60, $9.999999960e-13  }
0xc5: {  	v3 =	vmul.f32 v3, v3;
	v4 =	vadd.f32 v4, v5;
	(erf) = vrcp.f32 v61;
	_ =	sdelay $0x1  }
0xc6: {  	v2 =	vmul.f32 v2, v2;
	v1 =	vsub.f32 v1, v45;
	v3 =	vadd.f32 v3, v4;
	_ =	sdelay $0x1  }
0xc7: {  	v1 =	vmul.f32 v1, v1;
	v2 =	vadd.f32 v2, v3;
	_ =	sdelay $0x1  }
0xc8: {  	v1 =	vadd.f32 v1, v2;
	_ =	sdelay $0x1  }
0xc9: {  	v1 =	vadd.f32 v1, v1  }
0xca: {  	v2 =	vpop (erf)  }
0xcb: {  	v1 =	vmul.f32 v2, v1;
	_ =	sdelay $0x1  }
0xcc: {  	v1 =	vadd.f32 $1.000000000e+00, v1;
	_ =	sdelay $0x1  }
0xcd: {  	v2 =	vmax.f32 v1, $1.000000120e+00  }
0xce: {  	v1 =	vmul.f32 v2, v2;
	_ =	sdelay $0x1  }
0xcf: {  	v1 =	vadd.f32 $-1.000000000e+00, v1;
	_ =	sdelay $0x1  }
0xd0: {  	v3 =	vshra.s32 v1, $0x1;
	v62 =	vmul.f32 $5.000000000e-01, v1  }
0xd1: {  	v3 =	vsub.s32 $0x5F3759DF, v3  }
0xd2: {  	v63 =	vmul.f32 v3, v62;
	_ =	sdelay $0x1  }
0xd3: {  	v5 =	vmul.f32 v3, v63;
	_ =	sdelay $0x1  }
0xd4: {  	v5 =	vsub.f32 $1.500000000e+00, v5;
	_ =	sdelay $0x1  }
0xd5: {  	v3 =	vmul.f32 v3, v5;
	_ =	sdelay $0x1  }
0xd6: {  	v5 =	vmul.f32 v3, v62;
	_ =	sdelay $0x1  }
0xd7: {  	v5 =	vmul.f32 v5, v3;
	_ =	sdelay $0x1  }
0xd8: {  	v5 =	vsub.f32 $1.500000000e+00, v5;
	_ =	sdelay $0x1  }
0xd9: {  	v3 =	vmul.f32 v5, v3;
	_ =	sdelay $0x1  }
0xda: {  	v4 =	vmul.f32 v3, v62;
	_ =	sdelay $0x1  }
0xdb: {  	v4 =	vmul.f32 v4, v3;
	_ =	sdelay $0x1  }
0xdc: {  	v4 =	vsub.f32 $1.500000000e+00, v4;
	_ =	sdelay $0x1  }
0xdd: {  	v3 =	vmul.f32 v4, v3;
	_ =	sdelay $0x1  }
0xde: {  	v3 =	vmul.f32 v3, v1  }
0xdf: {  	s29 =	simm.s32 $0x10;
	s31 =	simm.s32 $0x8800  }
0xe0: {  	s28 =	simm.s32 $0x8800;
	s4 =	simm.s32 $0x8400;
	s14 =	simm.s32 $0x8600;
	v1 =	vld [tilespmem:$0x8A00];
	v2 =	vadd.f32 v3, v2  }
.LBB2_2:
0xe1: {  	s24 =	sadd.s32 $0x10, s24;
	s26 =	sadd.s32 $0x10, s26;
	s31 =	sadd.s32 $0x10, s31  }
0xe2: {  	p0 =	sne.s32 s29, $0x1F0;
	s18 =	smov.u32 s29;
	s29 =	sadd.s32 $0x10, s29;
	(erf) = vrcp.f32 v2  }
0xe3: {  	_ =	sdelay $0x1  }
0xe4: {  	v2 =	vld [tilespmem:s4+$0x0];
	s4 =	smov.u32 s24;
	_ =	sdelay $0x1  }
0xe5: {  	v3 =	vld [tilespmem:s14+$0x0];
	s14 =	smov.u32 s26;
	_ =	sdelay $0x2  }
0xe6: {  	v2 =	vadd.f32 v2, v1  }
0xe7: {  	v4 =	vmov s18;
	v5 =	vpop (erf)  }
0xe8: {  	v4 =	vshll.u32 v4, $0x5;
	v5 =	vmul.f32 $4.000000000e+00, v5;
	v2 =	vadd.f32 v3, v2  }
0xe9: {  	v22 =	vor.u32 v0, v4  }
0xea: {  	v23 =	vor.u32 $0x1, v22;
	v3 =	vor.u32 $0x2, v22;
	v2 =	vadd.f32 v5, v2  }
0xeb: {  	v4 =	vor.u32 $0x4, v22;
	v24 =	vor.u32 $0x5, v22;
	v20 =	vor.u32 $0xD, v22  }
0xec: {  	v25 =	vor.u32 $0x7, v22;
	v26 =	vor.u32 $0x8, v22;
	v27 =	vor.u32 $0x9, v22;
	[tilespmem:s28+$0x0] =	vst v2;
	s28 =	smov.u32 s31  }
0xed: {  	v28 =	vor.u32 $0xA, v22;
	v29 =	vor.u32 $0xB, v22;
	v21 =	vor.u32 $0xC, v22  }
0xee: {  	v19 =	vor.u32 $0xE, v22;
	v18 =	vor.u32 $0xF, v22;
	v17 =	vor.u32 $0x10, v22;
	v30 =	vld.idx.msk [tilespmem:v22+s16+$0x0], $0xffff  }
0xef: {  	v16 =	vor.u32 $0x11, v22;
	v15 =	vor.u32 $0x12, v22;
	v14 =	vor.u32 $0x13, v22  }
0xf0: {  	v31 =	vor.u32 $0x3, v22;
	v13 =	vor.u32 $0x14, v22;
	v12 =	vor.u32 $0x15, v22;
	v32 =	vld.idx.msk [tilespmem:v4+s16+$0x0], $0xffff  }
0xf1: {  	v11 =	vor.u32 $0x16, v22;
	v10 =	vor.u32 $0x17, v22;
	v9 =	vor.u32 $0x18, v22;
	v33 =	vld.idx.msk [tilespmem:v4+s17+$0x0], $0xffff  }
0xf2: {  	v8 =	vor.u32 $0x19, v22;
	v7 =	vor.u32 $0x1A, v22;
	v6 =	vor.u32 $0x1B, v22;
	v34 =	vld.idx.msk [tilespmem:v3+s16+$0x0], $0xffff  }
0xf3: {  	v5 =	vor.u32 $0x1C, v22;
	v4 =	vor.u32 $0x1D, v22;
	v35 =	vld.idx.msk [tilespmem:v3+s17+$0x0], $0xffff;
	v3 =	vor.u32 $0x1E, v22  }
0xf4: {  	v2 =	vor.u32 $0x1F, v22;
	v36 =	vld.idx.msk [tilespmem:v22+s17+$0x0], $0xffff  }
0xf5: {  	v37 =	vmul.f32 v30, v30;
	v38 =	vld.idx.msk [tilespmem:v23+s16+$0x0], $0xffff  }
0xf6: {  	v22 =	vor.u32 $0x6, v22;
	v23 =	vld.idx.msk [tilespmem:v23+s17+$0x0], $0xffff  }
0xf7: {  	v39 =	vld.idx.msk [tilespmem:v31+s16+$0x0], $0xffff  }
0xf8: {  	v40 =	vmul.f32 v34, v34;
	v31 =	vld.idx.msk [tilespmem:v31+s17+$0x0], $0xffff  }
0xf9: {  	v41 =	vmul.f32 v35, v35;
	v34 =	vsub.f32 v34, v35;
	v35 =	vld.idx.msk [tilespmem:v24+s16+$0x0], $0xffff  }
0xfa: {  	v42 =	vmul.f32 v36, v36;
	v30 =	vsub.f32 v30, v36;
	v24 =	vld.idx.msk [tilespmem:v24+s17+$0x0], $0xffff  }
0xfb: {  	v36 =	vmul.f32 v38, v38;
	v43 =	vld.idx.msk [tilespmem:v22+s16+$0x0], $0xffff  }
0xfc: {  	v34 =	vmul.f32 v34, v34;
	v44 =	vmul.f32 v23, v23;
	v23 =	vsub.f32 v38, v23;
	v38 =	vld.idx.msk [tilespmem:v21+s17+$0x0], $0xffff  }
0xfd: {  	v45 =	vmul.f32 v32, v32;
	v36 =	vadd.f32 v36, v37;
	v37 =	vmul.f32 v39, v39;
	v22 =	vld.idx.msk [tilespmem:v22+s17+$0x0], $0xffff  }
0xfe: {  	v42 =	vadd.f32 v44, v42;
	v23 =	vmul.f32 v23, v23;
	v44 =	vmul.f32 v33, v33;
	v46 =	vld.idx.msk [tilespmem:v25+s17+$0x0], $0xffff  }
0xff: {  	v32 =	vsub.f32 v32, v33;
	v30 =	vmul.f32 v30, v30;
	v33 =	vmul.f32 v35, v35;
	v25 =	vld.idx.msk [tilespmem:v25+s16+$0x0], $0xffff  }
0x100: {  	v36 =	vadd.f32 v40, v36;
	v40 =	vmul.f32 v24, v24;
	v24 =	vsub.f32 v35, v24;
	v35 =	vld.idx.msk [tilespmem:v26+s17+$0x0], $0xffff  }
0x101: {  	v41 =	vadd.f32 v41, v42;
	v42 =	vmul.f32 v31, v31;
	v47 =	vmul.f32 v43, v43;
	v26 =	vld.idx.msk [tilespmem:v26+s16+$0x0], $0xffff  }
0x102: {  	v36 =	vadd.f32 v37, v36;
	v24 =	vmul.f32 v24, v24;
	v48 =	vmul.f32 v38, v38;
	v37 =	vld.idx.msk [tilespmem:v29+s17+$0x0], $0xffff  }
0x103: {  	v32 =	vmul.f32 v32, v32;
	v31 =	vsub.f32 v39, v31;
	v41 =	vadd.f32 v42, v41;
	v39 =	vld.idx.msk [tilespmem:v27+s17+$0x0], $0xffff  }
0x104: {  	v23 =	vadd.f32 v23, v30;
	v30 =	vsub.f32 v43, v22;
	v42 =	vmul.f32 v46, v46;
	v27 =	vld.idx.msk [tilespmem:v27+s16+$0x0], $0xffff  }
0x105: {  	v31 =	vmul.f32 v31, v31;
	v36 =	vadd.f32 v45, v36;
	v43 =	vmul.f32 v25, v25  }
0x106: {  	v22 =	vmul.f32 v22, v22;
	v25 =	vsub.f32 v25, v46;
	v45 =	vmul.f32 v35, v35;
	v46 =	vld.idx.msk [tilespmem:v28+s17+$0x0], $0xffff  }
0x107: {  	v23 =	vadd.f32 v34, v23;
	v33 =	vadd.f32 v33, v36;
	v30 =	vmul.f32 v30, v30;
	v28 =	vld.idx.msk [tilespmem:v28+s16+$0x0], $0xffff  }
0x108: {  	v34 =	vadd.f32 v44, v41;
	v36 =	vmul.f32 v26, v26;
	v26 =	vsub.f32 v26, v35  }
0x109: {  	v33 =	vadd.f32 v47, v33;
	v41 =	vmul.f32 v37, v37;
	v35 =	vmul.f32 v39, v39;
	v29 =	vld.idx.msk [tilespmem:v29+s16+$0x0], $0xffff  }
0x10a: {  	v23 =	vadd.f32 v31, v23;
	v31 =	vadd.f32 v40, v34;
	v25 =	vmul.f32 v25, v25  }
0x10b: {  	v33 =	vadd.f32 v43, v33;
	v34 =	vmul.f32 v27, v27;
	v27 =	vsub.f32 v27, v39;
	v39 =	vld.idx.msk [tilespmem:v21+s16+$0x0], $0xffff  }
0x10c: {  	v22 =	vadd.f32 v22, v31;
	v26 =	vmul.f32 v26, v26;
	v31 =	vmul.f32 v46, v46;
	v40 =	vld.idx.msk [tilespmem:v20+s17+$0x0], $0xffff  }
0x10d: {  	v23 =	vadd.f32 v32, v23;
	v32 =	vadd.f32 v36, v33;
	v33 =	vmul.f32 v28, v28;
	v21 =	vld.idx.msk [tilespmem:v10+s17+$0x0], $0xffff  }
0x10e: {  	v36 =	vadd.f32 v42, v22;
	v27 =	vmul.f32 v27, v27;
	v28 =	vsub.f32 v28, v46;
	v22 =	vld.idx.msk [tilespmem:v11+s17+$0x0], $0xffff  }
0x10f: {  	v23 =	vadd.f32 v24, v23;
	v24 =	vadd.f32 v34, v32;
	v32 =	vmul.f32 v29, v29;
	v20 =	vld.idx.msk [tilespmem:v20+s16+$0x0], $0xffff  }
0x110: {  	v34 =	vadd.f32 v45, v36;
	v28 =	vmul.f32 v28, v28;
	v29 =	vsub.f32 v29, v37;
	v36 =	vld.idx.msk [tilespmem:v12+s17+$0x0], $0xffff  }
0x111: {  	v23 =	vadd.f32 v30, v23;
	v24 =	vadd.f32 v33, v24;
	v30 =	vmul.f32 v39, v39;
	v33 =	vld.idx.msk [tilespmem:v19+s16+$0x0], $0xffff  }
0x112: {  	v34 =	vadd.f32 v35, v34;
	v29 =	vmul.f32 v29, v29;
	v35 =	vsub.f32 v39, v38;
	v19 =	vld.idx.msk [tilespmem:v19+s17+$0x0], $0xffff  }
0x113: {  	v23 =	vadd.f32 v25, v23;
	v24 =	vadd.f32 v32, v24;
	v25 =	vmul.f32 v40, v40;
	v32 =	vld.idx.msk [tilespmem:v18+s16+$0x0], $0xffff  }
0x114: {  	v31 =	vadd.f32 v31, v34;
	v34 =	vmul.f32 v35, v35;
	v35 =	vmul.f32 v22, v22;
	v18 =	vld.idx.msk [tilespmem:v18+s17+$0x0], $0xffff  }
0x115: {  	v23 =	vadd.f32 v26, v23;
	v24 =	vadd.f32 v30, v24;
	v26 =	vmul.f32 v20, v20;
	v30 =	vld.idx.msk [tilespmem:v17+s16+$0x0], $0xffff  }
0x116: {  	v31 =	vadd.f32 v41, v31;
	v20 =	vsub.f32 v20, v40;
	v37 =	vmul.f32 v36, v36;
	v17 =	vld.idx.msk [tilespmem:v17+s17+$0x0], $0xffff  }
0x117: {  	v23 =	vadd.f32 v27, v23;
	v24 =	vadd.f32 v26, v24;
	v26 =	vmul.f32 v33, v33;
	v27 =	vld.idx.msk [tilespmem:v16+s16+$0x0], $0xffff  }
0x118: {  	v31 =	vadd.f32 v48, v31;
	v38 =	vmul.f32 v19, v19;
	v19 =	vsub.f32 v33, v19;
	v16 =	vld.idx.msk [tilespmem:v16+s17+$0x0], $0xffff  }
0x119: {  	v23 =	vadd.f32 v28, v23;
	v24 =	vadd.f32 v26, v24;
	v26 =	vmul.f32 v32, v32;
	v28 =	vld.idx.msk [tilespmem:v15+s16+$0x0], $0xffff  }
0x11a: {  	v25 =	vadd.f32 v25, v31;
	v19 =	vmul.f32 v19, v19;
	v31 =	vmul.f32 v18, v18;
	v15 =	vld.idx.msk [tilespmem:v15+s17+$0x0], $0xffff  }
0x11b: {  	v23 =	vadd.f32 v29, v23;
	v24 =	vadd.f32 v26, v24;
	v26 =	vmul.f32 v30, v30;
	v29 =	vld.idx.msk [tilespmem:v14+s16+$0x0], $0xffff  }
0x11c: {  	v25 =	vadd.f32 v38, v25;
	v18 =	vsub.f32 v32, v18;
	v32 =	vmul.f32 v17, v17;
	v14 =	vld.idx.msk [tilespmem:v14+s17+$0x0], $0xffff  }
0x11d: {  	v23 =	vadd.f32 v34, v23;
	v24 =	vadd.f32 v26, v24;
	v26 =	vmul.f32 v27, v27  }
0x11e: {  	v20 =	vmul.f32 v20, v20;
	v25 =	vadd.f32 v31, v25;
	v31 =	vmul.f32 v16, v16;
	v33 =	vld.idx.msk [tilespmem:v13+s17+$0x0], $0xffff  }
0x11f: {  	v18 =	vmul.f32 v18, v18;
	v24 =	vadd.f32 v26, v24;
	v26 =	vmul.f32 v28, v28;
	v13 =	vld.idx.msk [tilespmem:v13+s16+$0x0], $0xffff  }
0x120: {  	v17 =	vsub.f32 v30, v17;
	v25 =	vadd.f32 v32, v25;
	v30 =	vmul.f32 v15, v15  }
0x121: {  	v20 =	vadd.f32 v20, v23;
	v23 =	vadd.f32 v26, v24;
	v24 =	vmul.f32 v29, v29  }
0x122: {  	v16 =	vsub.f32 v27, v16;
	v25 =	vadd.f32 v31, v25;
	v26 =	vmul.f32 v14, v14;
	v12 =	vld.idx.msk [tilespmem:v12+s16+$0x0], $0xffff  }
0x123: {  	v19 =	vadd.f32 v19, v20;
	v17 =	vmul.f32 v17, v17;
	v20 =	vadd.f32 v24, v23  }
0x124: {  	v15 =	vsub.f32 v28, v15;
	v23 =	vadd.f32 v30, v25;
	v24 =	vmul.f32 v33, v33;
	v11 =	vld.idx.msk [tilespmem:v11+s16+$0x0], $0xffff  }
0x125: {  	v18 =	vadd.f32 v18, v19;
	v19 =	vmul.f32 v21, v21;
	v16 =	vmul.f32 v16, v16  }
0x126: {  	v14 =	vsub.f32 v29, v14;
	v23 =	vadd.f32 v26, v23;
	v25 =	vmul.f32 v13, v13;
	v10 =	vld.idx.msk [tilespmem:v10+s16+$0x0], $0xffff  }
0x127: {  	v17 =	vadd.f32 v17, v18;
	v15 =	vmul.f32 v15, v15;
	v13 =	vsub.f32 v13, v33;
	v18 =	vld.idx.msk [tilespmem:v9+s17+$0x0], $0xffff  }
0x128: {  	v20 =	vadd.f32 v25, v20;
	v23 =	vadd.f32 v24, v23;
	v24 =	vmul.f32 v12, v12;
	v9 =	vld.idx.msk [tilespmem:v9+s16+$0x0], $0xffff  }
0x129: {  	v16 =	vadd.f32 v16, v17;
	v14 =	vmul.f32 v14, v14;
	v12 =	vsub.f32 v12, v36;
	v17 =	vld.idx.msk [tilespmem:v8+s17+$0x0], $0xffff  }
0x12a: {  	v23 =	vadd.f32 v37, v23;
	v20 =	vadd.f32 v24, v20;
	v24 =	vmul.f32 v11, v11;
	v8 =	vld.idx.msk [tilespmem:v8+s16+$0x0], $0xffff  }
0x12b: {  	v15 =	vadd.f32 v15, v16;
	v13 =	vmul.f32 v13, v13;
	v11 =	vsub.f32 v11, v22  }
0x12c: {  	v16 =	vadd.f32 v24, v20;
	v20 =	vadd.f32 v35, v23;
	v22 =	vmul.f32 v10, v10;
	v23 =	vld.idx.msk [tilespmem:v7+s16+$0x0], $0xffff  }
0x12d: {  	v14 =	vadd.f32 v14, v15;
	v12 =	vmul.f32 v12, v12;
	v10 =	vsub.f32 v10, v21;
	v7 =	vld.idx.msk [tilespmem:v7+s17+$0x0], $0xffff  }
0x12e: {  	v15 =	vadd.f32 v22, v16;
	v16 =	vadd.f32 v19, v20;
	v19 =	vmul.f32 v9, v9;
	v20 =	vld.idx.msk [tilespmem:v6+s16+$0x0], $0xffff  }
0x12f: {  	v13 =	vadd.f32 v13, v14;
	v11 =	vmul.f32 v11, v11;
	v9 =	vsub.f32 v9, v18  }
0x130: {  	v14 =	vadd.f32 v19, v15;
	v15 =	vmul.f32 v8, v8;
	v8 =	vsub.f32 v8, v17;
	v6 =	vld.idx.msk [tilespmem:v6+s17+$0x0], $0xffff  }
0x131: {  	v12 =	vadd.f32 v12, v13;
	v13 =	vmul.f32 v18, v18;
	v10 =	vmul.f32 v10, v10;
	v18 =	vld.idx.msk [tilespmem:v5+s16+$0x0], $0xffff  }
0x132: {  	v14 =	vadd.f32 v15, v14;
	v15 =	vmul.f32 v17, v17;
	v17 =	vmul.f32 v23, v23;
	v5 =	vld.idx.msk [tilespmem:v5+s17+$0x0], $0xffff  }
0x133: {  	v13 =	vadd.f32 v13, v16;
	v9 =	vmul.f32 v9, v9;
	v16 =	vsub.f32 v23, v7  }
0x134: {  	v11 =	vadd.f32 v11, v12;
	v7 =	vmul.f32 v7, v7;
	v12 =	vadd.f32 v17, v14;
	v14 =	vld.idx.msk [tilespmem:v4+s16+$0x0], $0xffff  }
0x135: {  	v8 =	vmul.f32 v8, v8;
	v13 =	vadd.f32 v15, v13;
	v15 =	vmul.f32 v20, v20;
	v4 =	vld.idx.msk [tilespmem:v4+s17+$0x0], $0xffff  }
0x136: {  	v10 =	vadd.f32 v10, v11;
	v11 =	vmul.f32 v6, v6;
	v6 =	vsub.f32 v20, v6;
	v17 =	vld.idx.msk [tilespmem:v3+s16+$0x0], $0xffff  }
0x137: {  	v7 =	vadd.f32 v7, v13;
	v13 =	vmul.f32 v16, v16;
	v12 =	vadd.f32 v15, v12;
	v3 =	vld.idx.msk [tilespmem:v3+s17+$0x0], $0xffff  }
0x138: {  	v9 =	vadd.f32 v9, v10;
	v10 =	vmul.f32 v18, v18;
	v15 =	vsub.f32 v18, v5;
	v16 =	vld.idx.msk [tilespmem:v2+s17+$0x0], $0xffff  }
0x139: {  	v7 =	vadd.f32 v11, v7;
	v5 =	vmul.f32 v5, v5;
	v2 =	vld.idx.msk [tilespmem:v2+s16+$0x0], $0xffff  }
0x13a: {  	v8 =	vadd.f32 v8, v9;
	v9 =	vadd.f32 v10, v12;
	v10 =	vmul.f32 v14, v14  }
0x13b: {  	v5 =	vadd.f32 v5, v7;
	v7 =	vmul.f32 v4, v4;
	v4 =	vsub.f32 v14, v4  }
0x13c: {  	v8 =	vadd.f32 v13, v8;
	v6 =	vmul.f32 v6, v6;
	v9 =	vadd.f32 v10, v9  }
0x13d: {  	v5 =	vadd.f32 v7, v5;
	v7 =	vmul.f32 v17, v17;
	v10 =	vmul.f32 v3, v3  }
0x13e: {  	v6 =	vadd.f32 v6, v8;
	v8 =	vmul.f32 v15, v15;
	v11 =	vmul.f32 v16, v16  }
0x13f: {  	v7 =	vadd.f32 v7, v9;
	v5 =	vadd.f32 v10, v5;
	v9 =	vmul.f32 v2, v2  }
0x140: {  	v6 =	vadd.f32 v8, v6;
	v4 =	vmul.f32 v4, v4;
	v3 =	vsub.f32 v17, v3  }
0x141: {  	v7 =	vadd.f32 v9, v7;
	v5 =	vadd.f32 v11, v5  }
0x142: {  	v4 =	vadd.f32 v4, v6;
	v3 =	vmul.f32 v3, v3;
	v2 =	vsub.f32 v2, v16  }
0x143: {  	v6 =	vsub.f32 $1.000000000e+00, v7;
	v5 =	vsub.f32 $1.000000000e+00, v5  }
0x144: {  	v3 =	vadd.f32 v3, v4;
	v2 =	vmul.f32 v2, v2  }
0x145: {  	v4 =	vmul.f32 v5, v6  }
0x146: {  	v2 =	vadd.f32 v2, v3  }
0x147: {  	v3 =	vmax.f32 v4, $9.999999960e-13  }
0x148: {  	(erf) = vrcp.f32 v3;
	_ =	sdelay $0x7  }
0x149: {  	v2 =	vadd.f32 v2, v2  }
0x14a: {  	v3 =	vpop (erf)  }
0x14b: {  	v2 =	vmul.f32 v3, v2;
	_ =	sdelay $0x1  }
0x14c: {  	v2 =	vadd.f32 $1.000000000e+00, v2;
	_ =	sdelay $0x1  }
0x14d: {  	v2 =	vmax.f32 v2, $1.000000120e+00  }
0x14e: {  	v3 =	vmul.f32 v2, v2;
	_ =	sdelay $0x1  }
0x14f: {  	v3 =	vadd.f32 $-1.000000000e+00, v3;
	_ =	sdelay $0x1  }
0x150: {  	v4 =	vshra.s32 v3, $0x1;
	v5 =	vmul.f32 $5.000000000e-01, v3  }
0x151: {  	v4 =	vsub.s32 $0x5F3759DF, v4  }
0x152: {  	v6 =	vmul.f32 v4, v5;
	_ =	sdelay $0x1  }
0x153: {  	v6 =	vmul.f32 v4, v6;
	_ =	sdelay $0x1  }
0x154: {  	v6 =	vsub.f32 $1.500000000e+00, v6;
	_ =	sdelay $0x1  }
0x155: {  	v4 =	vmul.f32 v4, v6;
	_ =	sdelay $0x1  }
0x156: {  	v6 =	vmul.f32 v4, v5;
	_ =	sdelay $0x1  }
0x157: {  	v6 =	vmul.f32 v6, v4;
	_ =	sdelay $0x1  }
0x158: {  	v6 =	vsub.f32 $1.500000000e+00, v6;
	_ =	sdelay $0x1  }
0x159: {  	v4 =	vmul.f32 v6, v4;
	_ =	sdelay $0x1  }
0x15a: {  	v5 =	vmul.f32 v4, v5;
	_ =	sdelay $0x1  }
0x15b: {  	v5 =	vmul.f32 v5, v4;
	_ =	sdelay $0x1  }
0x15c: {  	v5 =	vsub.f32 $1.500000000e+00, v5;
	_ =	sdelay $0x1  }
.Ltmp0:
0x15d: {  	v4 =	vmul.f32 v5, v4;
	(pc) =	sbr.rel @p0 .LBB2_2-.Ltmp0, $3  }
0x15e: {  	_ = 	snop  }
0x15f: {  	v3 =	vmul.f32 v4, v3;
	_ =	sdelay $0x1  }
0x160: {  	v2 =	vadd.f32 v3, v2  }
0x161: {  	_ = 	snop  }
0x162: {  	(erf) = vrcp.f32 v2;
	_ =	sdelay $0x2  }
0x163: {  	v2 =	vld [tilespmem:s4+$0x0];
	_ =	sdelay $0x1  }
0x164: {  	v3 =	vld [tilespmem:s14+$0x0];
	_ =	sdelay $0x2  }
0x165: {  	v1 =	vadd.f32 v2, v1  }
0x166: {  	v2 =	vpop (erf)  }
0x167: {  	v1 =	vadd.f32 v3, v1;
	v2 =	vmul.f32 $4.000000000e+00, v2;
	_ =	sdelay $0x1  }
0x168: {  	s22 =	sadd.s32 $0x1, s22;
	v1 =	vadd.f32 v2, v1  }
0x169: {  	p0 =	sne.s32 s22, s11  }
.Ltmp1:
0x16a: {  	[tilespmem:s28+$0x0] =	vst v1;
	(pc) =	sbr.rel @p0 .LBB2_1-.Ltmp1, $4  }
0x16b: {  	[hbm4b:s10+s3] =	stream.linear.scatter [tilespmem:s21], [sflag:$0x2], $0x200, $0x38;
	[tilespmem:$0x8A10] =	vst v63  }
0x16c: {  	_ =	swait.ge [sflag:s12], $0x200  }
0x16d: {  	[sflag:s12] =	ssyncset.done $0x0  }
0x16e: {  	[sflag:s12] =	ssyncadd.s32 $0xFFFFFE00  }
0x16f: {  	_ =	sfence.sel $0x180000  }
0x170: {  	[bflag:$0x0] =	sbarrier.arrive $0xFFFF  }
0x171: {  	_ =	strace $0x90000047  }
0x172: {  	s0 =	stileid.u32;
	[bflag:$0x2] =	sbarrier.arrive $0xFFFF  }
0x173: {  	p0 =	sne.s32 s0, $0x0;
	s0 =	rddreg [dreg:$0x6]  }
0x174: {  	s0 =	sadd.s32 @!p0 $0x100000, s0  }
0x175: {  	[sflag:s0] =	ssyncadd.tile.s32 @!p0 $0x1;
	_ =	shalt  }
.Lfunc_end2:
_tile_overlayer_lowered:
.L_overlay_start_2:
0x176: {  	(tag) =	ssettag $0x2  }
0x177: {  	s0 =	rddreg [dreg:$0x0];
	s2 =	stileid.u32  }
0x178: {  	s1 =	rddreg [dreg:$0x1];
	p0 =	sne.s32 s2, $0x0  }
0x179: {  	s3 =	rddreg [dreg:$0x2];
	[bflag:$0x3] =	sbarrier.arrive $0xFFFF;
	s2 =	simm.s32 @!p0 $0x1C02  }
0x17a: {  	[timem:s3], [sflag:s2] =	dma.local @!p0 [hbm:s0], s1  }
0x17b: {  	s0 =	simm.s32 @!p0 $0x2  }
0x17c: {  	_ =	swait.ge @!p0 [sflag:s0], s1  }
0x17d: {  	s1 =	ssub.s32 @!p0 $0x0, s1;
	[sflag:s0] =	ssyncset.done @!p0 $0x0  }
0x17e: {  	[sflag:s0] =	ssyncadd.s32 @!p0 s1  }
0x17f: {  	[bflag:$0x3] =	sbarrier.arrive $0xFFFF  }
0x180: {  	_ =	shalt  }

</sc_bundles>
